<compile_context>
chip_gen: v7x
topology: tpu7x:2x2x1
jax: 0.10.2.dev20260603
libtpu: 0.0.44.dev20260713+nightly
codegen_flags: <defaults>
</compile_context>

<pallas_src>
import jax
import jax.numpy as jnp
from jax.experimental import pallas as pl
from jax.experimental.pallas import tpu as pltpu
from jax.experimental.pallas import tpu_sc as plsc

CAPACITY = 100000
D = 64
N_ADD = 4096
Q = 1024
K = 8
W = 2048

NEG = -3.0e38
BIG = 3.0e38


def _extract_topk(vals, ids, k):
    outs, outi = [], []
    cur = vals
    for _ in range(k):
        m = jnp.max(cur, axis=1, keepdims=True)
        sel = jnp.min(jnp.where(cur == m, ids, BIG), axis=1, keepdims=True)
        outs.append(m)
        outi.append(sel)
        cur = jnp.where(ids == sel, NEG, cur)
    return jnp.concatenate(outs, axis=1), jnp.concatenate(outi, axis=1)


def _fold_max(vals, ids, stop_w=128):
    while vals.shape[1] > stop_w:
        h = vals.shape[1] // 2
        a, b = vals[:, :h], vals[:, h:]
        ia, ib = ids[:, :h], ids[:, h:]
        take_b = b > a
        vals = jnp.where(take_b, b, a)
        ids = jnp.where(take_b, ib, ia)
    return vals, ids


def _make_topk_body(capacity, n_new_tiles, tile_w, k):
    def body(qh_ref, nkh_ref, kbh_ref, ts_ref, ti_ref):
        i = pl.program_id(1)
        keys_h = jnp.where(i < n_new_tiles, nkh_ref[...], kbh_ref[...])
        qh = qh_ref[...]
        dn = (((1,), (1,)), ((), ()))
        st = jax.lax.dot_general(qh, keys_h, dn, preferred_element_type=jnp.float32)
        ids = (jax.lax.broadcasted_iota(jnp.int32, st.shape, 1)
               + i * tile_w).astype(jnp.float32)
        st = jnp.where(ids < capacity, st, NEG)

        @pl.when(i == 0)
        def _():
            ts_ref[...] = jnp.full(ts_ref.shape, NEG, jnp.float32)
            ti_ref[...] = jnp.zeros(ti_ref.shape, jnp.float32)

        def merge(tile_s, tile_i):
            cs = jnp.concatenate([ts_ref[...], tile_s], axis=1)
            ci = jnp.concatenate([ti_ref[...], tile_i], axis=1)
            new_s, new_i = _extract_topk(cs, ci, k)
            ts_ref[...] = new_s
            ti_ref[...] = new_i

        t = ts_ref[:, k - 1:k]
        cnt = jnp.sum((st > t).astype(jnp.int32), axis=1, keepdims=True)
        fv, fi_ = _fold_max(st, ids)
        tile_s, tile_i = _extract_topk(fv, fi_, k)
        f = jnp.sum((tile_s > t).astype(jnp.int32), axis=1, keepdims=True)
        ok = jnp.all((cnt <= k) & (f == cnt))

        @pl.when(ok)
        def _():
            merge(tile_s, tile_i)

        @pl.when(jnp.logical_not(ok))
        def _():
            slow_s, slow_i = _extract_topk(st, ids, k)
            merge(slow_s, slow_i)

    return body


def _l2n(x):
    n = jnp.linalg.norm(x, ord=2, axis=-1, keepdims=True)
    return x / jnp.maximum(n, 1e-12)


def _topk_pallas(query, new_key, keys_buffer):
    q, d = query.shape
    n_add = new_key.shape[0]
    capacity = keys_buffer.shape[0]
    assert n_add % W == 0
    n_new_tiles = n_add // W
    nt = pl.cdiv(capacity, W)
    qb = q // 2
    qh = _l2n(query).astype(jnp.bfloat16)
    nkh = _l2n(new_key).astype(jnp.bfloat16)
    kbh = keys_buffer.astype(jnp.bfloat16)
    body = _make_topk_body(capacity, n_new_tiles, W, K)
    q_spec = pl.BlockSpec((qb, d), lambda h, i: (h, 0))
    nk_spec = pl.BlockSpec((W, d), lambda h, i: (jnp.minimum(i, n_new_tiles - 1), 0))
    kb_spec = pl.BlockSpec((W, d), lambda h, i: (i, 0))
    return pl.pallas_call(
        body,
        grid=(2, nt),
        in_specs=[q_spec, nk_spec, kb_spec],
        out_specs=[
            pl.BlockSpec((qb, K), lambda h, i: (h, 0)),
            pl.BlockSpec((qb, K), lambda h, i: (h, 0)),
        ],
        out_shape=[
            jax.ShapeDtypeStruct((q, K), jnp.float32),
            jax.ShapeDtypeStruct((q, K), jnp.float32),
        ],
        compiler_params=pltpu.CompilerParams(
            dimension_semantics=("parallel", "arbitrary"),
        ),
    )(qh, nkh, kbh)


def _gather2_sc(old2, new2, old_ids, new_ids):
    n = old_ids.shape[1]
    d = old2.shape[1]
    gw = 128
    mesh = plsc.VectorSubcoreMesh(core_axis_name="core", subcore_axis_name="subcore")
    out_t = jax.ShapeDtypeStruct((n, d), jnp.float32)

    @pl.kernel(out_type=(out_t, out_t), mesh=mesh)
    def body(old_hbm, new_hbm, io_hbm, in_hbm, oo_hbm, on_hbm):
        def inner(io_vmem, in_vmem, oo_vmem, on_vmem):
            pltpu.sync_copy(old_hbm.at[io_vmem.at[0]], oo_vmem)
            pltpu.sync_copy(new_hbm.at[in_vmem.at[0]], on_vmem)

        pltpu.emit_pipeline(
            inner,
            grid=(n // gw,),
            in_specs=[pl.BlockSpec((1, gw), lambda i: (0, i)),
                      pl.BlockSpec((1, gw), lambda i: (0, i))],
            out_specs=[pl.BlockSpec((gw, d), lambda i: (i, 0)),
                       pl.BlockSpec((gw, d), lambda i: (i, 0))],
            core_axis_name="subcore",
            dimension_semantics=(pltpu.PARALLEL,),
        )(io_hbm, in_hbm, oo_hbm, on_hbm)

    return body(old2, new2, old_ids, new_ids)


def kernel(keys_buffer, slots_buffer, new_key, new_slot, indices, query, k):
    del indices, k
    top_scores, top_ids = _topk_pallas(query, new_key, keys_buffer)
    new2 = new_slot.reshape(N_ADD // 2, 2 * D)
    old2 = slots_buffer.reshape(CAPACITY // 2, 2 * D)
    flat = top_ids.reshape(Q * K).astype(jnp.int32)
    pid = flat // 2
    old_ids = pid.reshape(1, Q * K)
    new_ids = (pid & (N_ADD // 2 - 1)).reshape(1, Q * K)
    g_old, g_new = _gather2_sc(old2, new2, old_ids, new_ids)
    pairs = jnp.where((flat < N_ADD)[:, None], g_new, g_old)
    slots = jnp.where((flat & 1)[:, None] == 0, pairs[:, :D], pairs[:, D:])
    return slots.reshape(Q, K, D), top_scores

# --- scband reference (transcript-rebuilt; emitter-appended) ---
"""Pipeline reference for scband-episodic-store-39814346834302 (READ-ONLY COPY).

The authoritative reference and input builder live on the scoring server;
editing this copy changes nothing except your own understanding.
"""

import jax, jax.numpy as jnp
import numpy as np

CAPACITY = 100000
KEY_DIM = 64
SLOT_DIM = 64
N_ADD = 4096
Q = 1024
TOP_K = 8


def _l2_normalize(x, eps=1e-12):
    # matches torch.nn.functional.normalize(p=2, dim=-1)
    n = jnp.linalg.norm(x, ord=2, axis=-1, keepdims=True)
    return x / jnp.maximum(n, eps)


def setup_inputs(seed: int = 0) -> dict:
    key = jax.random.key(seed)
    ks = jax.random.split(key, 5)
    return {
        "keys_buffer": jax.random.normal(ks[0], (CAPACITY, KEY_DIM), dtype=jnp.float32),
        "slots_buffer": jax.random.normal(ks[1], (CAPACITY, SLOT_DIM), dtype=jnp.float32),
        "new_key": jax.random.normal(ks[2], (N_ADD, KEY_DIM), dtype=jnp.float32),
        "new_slot": jax.random.normal(ks[3], (N_ADD, SLOT_DIM), dtype=jnp.float32),
        "indices": jnp.arange(N_ADD, dtype=jnp.int32),  # write positions: (pointer + arange(batch)) % capacity with pointer=0
        "query": jax.random.normal(ks[4], (Q, KEY_DIM), dtype=jnp.float32),
        "k": TOP_K,
    }


def reference(keys_buffer, slots_buffer, new_key, new_slot, indices, query, k):
    # --- add(): L2-normalize keys, scatter-overwrite keys/slots into memory buffers ---
    k_norm = _l2_normalize(new_key)
    kb = keys_buffer.at[indices].set(k_norm)
    sb = slots_buffer.at[indices].set(new_slot)
    # --- retrieve(): normalized query, inner-product (IndexFlatIP) search, top-k ---
    q_norm = _l2_normalize(query)
    scores = q_norm @ kb.T  # [Q, CAPACITY] inner-product scores
    scores = scores + jnp.zeros((), scores.dtype) * k
    top_scores, top_ids = jax.lax.top_k(scores, TOP_K)  # [Q, k]
    # gather slot vectors corresponding to retrieved ids
    retrieved_slots = jnp.take(sb, top_ids, axis=0)  # [Q, k, SLOT_DIM]
    return retrieved_slots, top_scores

if __name__ == "__main__":
    import jax
    _d = setup_inputs()
    print(jax.jit(kernel)(*tuple(_d.values())))

</pallas_src>

<mosaic_0001>
#map = affine_map<(d0, d1) -> (0, 0)>
module attributes {stable_mosaic.version = 14 : i64} {
  func.func @body(%arg0: i32, %arg1: i32, %arg2: memref<50000x128xf32, #tpu.memory_space<hbm>>, %arg3: memref<2048x128xf32, #tpu.memory_space<hbm>>, %arg4: memref<1x8192xi32, #tpu.memory_space<hbm>>, %arg5: memref<1x8192xi32, #tpu.memory_space<hbm>>, %arg6: memref<8192x128xf32, #tpu.memory_space<hbm>>, %arg7: memref<8192x128xf32, #tpu.memory_space<hbm>>) attributes {dimension_semantics = [#tpu.dimension_semantics<core_parallel>, #tpu.dimension_semantics<subcore_parallel>], iteration_bounds = array<i64: 2, 16>, scalar_prefetch = 0 : i64, scratch_operands = 0 : i64, tpu.core_type = #tpu.core_type<sc_vector_subcore>, window_params = [{transform_indices = #map}, {transform_indices = #map}, {transform_indices = #map}, {transform_indices = #map}, {transform_indices = #map}, {transform_indices = #map}]} {
    %mul3A = arith.constant 4 : i32
    %mul3A_0 = arith.muli %arg1, %mul3A : i32
    "tpu.region"() ({
      %run_scoped3A = memref.alloca() : memref<2x1x128xi32, #tpu.memory_space<vmem>>
      %run_scoped3A_1 = tpu.sem_alloc : memref<2x!tpu.dma_semaphore, #tpu.memory_space<semaphore_mem>>
      %run_scoped3A_2 = memref.alloca() : memref<2x1x128xi32, #tpu.memory_space<vmem>>
      %run_scoped3A_3 = tpu.sem_alloc : memref<2x!tpu.dma_semaphore, #tpu.memory_space<semaphore_mem>>
      %run_scoped3A_4 = memref.alloca() : memref<2x128x128xf32, #tpu.memory_space<vmem>>
      %run_scoped3A_5 = tpu.sem_alloc : memref<2x!tpu.dma_semaphore, #tpu.memory_space<semaphore_mem>>
      %run_scoped3A_6 = memref.alloca() : memref<2x128x128xf32, #tpu.memory_space<vmem>>
      %run_scoped3A_7 = tpu.sem_alloc : memref<2x!tpu.dma_semaphore, #tpu.memory_space<semaphore_mem>>
      %add3A = arith.constant 0 : i32
      %add3A_8 = arith.addi %add3A, %mul3A_0 : i32
      %select_n3A = arith.constant true
      %select_n3A_9 = arith.constant 0 : i32
      %select_n3A_10 = arith.constant -1 : i32
      %select_n3A_11 = arith.select %select_n3A, %select_n3A_10, %select_n3A_9 : i32
      %eq3A = arith.constant -1 : i32
      %eq3A_12 = arith.cmpi eq, %select_n3A_11, %eq3A : i32
      %select_n3A_13 = arith.constant 3 : i32
      %select_n3A_14 = arith.select %eq3A_12, %select_n3A_13, %select_n3A_11 : i32
      %add3A_15 = arith.addi %select_n3A_14, %mul3A_0 : i32
      %select_n3A_16 = arith.constant true
      %select_n3A_17 = arith.constant 0 : i32
      %select_n3A_18 = arith.constant 1 : i32
      %select_n3A_19 = arith.select %select_n3A_16, %select_n3A_18, %select_n3A_17 : i32
      %eq3A_20 = arith.constant 4 : i32
      %eq3A_21 = arith.cmpi eq, %select_n3A_19, %eq3A_20 : i32
      %select_n3A_22 = arith.constant 0 : i32
      %select_n3A_23 = arith.select %eq3A_21, %select_n3A_22, %select_n3A_19 : i32
      %add3A_24 = arith.addi %select_n3A_23, %mul3A_0 : i32
      %add3A_25 = arith.constant 1 : i32
      %add3A_26 = arith.addi %select_n3A_23, %add3A_25 : i32
      %select_n3A_27 = arith.constant true
      %select_n3A_28 = arith.select %select_n3A_27, %add3A_26, %select_n3A_23 : i32
      %eq3A_29 = arith.constant 4 : i32
      %eq3A_30 = arith.cmpi eq, %select_n3A_28, %eq3A_29 : i32
      %select_n3A_31 = arith.constant 0 : i32
      %select_n3A_32 = arith.select %eq3A_30, %select_n3A_31, %select_n3A_28 : i32
      %add3A_33 = arith.addi %select_n3A_32, %mul3A_0 : i32
      "tpu.trace_start"() <{level = 10 : i32, message = "ep_initialize_0"}> : () -> ()
      %rem3A = arith.constant 0 : i32
      %rem3A_34 = arith.constant 2 : i32
      %rem3A_35 = arith.remui %rem3A, %rem3A_34 : i32
      %mul3A_36 = arith.constant 128 : i32
      %mul3A_37 = arith.muli %mul3A_36, %add3A_8 : i32
      %dma_start3A = arith.constant 0 : i32
      %dma_start3A_38 = arith.constant 0 : i32
      %dma_start3A_39 = tpu.memref_slice %run_scoped3A[%rem3A_35, %dma_start3A, %dma_start3A_38] : memref<2x1x128xi32, #tpu.memory_space<vmem>> -> memref<1x1x128xi32, #tpu.memory_space<vmem>>
      %dma_start3A_40 = tpu.memref_squeeze %dma_start3A_39 : memref<1x1x128xi32, #tpu.memory_space<vmem>> -> memref<1x128xi32, #tpu.memory_space<vmem>>
      %dma_start3A_41 = arith.constant 0 : i32
      %dma_start3A_42 = tpu.memref_slice %arg4[%dma_start3A_41, %mul3A_37] : memref<1x8192xi32, #tpu.memory_space<hbm>> -> memref<1x128xi32, #tpu.memory_space<hbm>>
      %dma_start3A_43 = tpu.memref_slice %run_scoped3A_1[%rem3A_35] : memref<2x!tpu.dma_semaphore, #tpu.memory_space<semaphore_mem>> -> memref<1x!tpu.dma_semaphore, #tpu.memory_space<semaphore_mem>>
      %dma_start3A_44 = tpu.memref_squeeze %dma_start3A_43 : memref<1x!tpu.dma_semaphore, #tpu.memory_space<semaphore_mem>> -> memref<!tpu.dma_semaphore, #tpu.memory_space<semaphore_mem>>
      %dma_start3A_45 = arith.constant 0 : i32
      %dma_start3A_46 = arith.constant 0 : i32
      %dma_start3A_47 = tpu.memref_slice %run_scoped3A[%rem3A_35, %dma_start3A_45, %dma_start3A_46] : memref<2x1x128xi32, #tpu.memory_space<vmem>> -> memref<1x1x128xi32, #tpu.memory_space<vmem>>
      %dma_start3A_48 = tpu.memref_squeeze %dma_start3A_47 : memref<1x1x128xi32, #tpu.memory_space<vmem>> -> memref<1x128xi32, #tpu.memory_space<vmem>>
      %dma_start3A_49 = arith.constant 0 : i32
      %dma_start3A_50 = tpu.memref_slice %arg4[%dma_start3A_49, %mul3A_37] : memref<1x8192xi32, #tpu.memory_space<hbm>> -> memref<1x128xi32, #tpu.memory_space<hbm>>
      tpu.enqueue_dma source(%dma_start3A_50 : memref<1x128xi32, #tpu.memory_space<hbm>>) target(%dma_start3A_48 : memref<1x128xi32, #tpu.memory_space<vmem>>) target_semaphore(%dma_start3A_44 : memref<!tpu.dma_semaphore, #tpu.memory_space<semaphore_mem>>)
      %add3A_51 = arith.constant 0 : i32
      %add3A_52 = arith.constant 1 : i32
      %add3A_53 = arith.addi %add3A_51, %add3A_52 : i32
      %select_n3A_54 = arith.constant true
      %select_n3A_55 = arith.constant 0 : i32
      %select_n3A_56 = arith.select %select_n3A_54, %add3A_53, %select_n3A_55 : i32
      %rem3A_57 = arith.constant 0 : i32
      %rem3A_58 = arith.constant 2 : i32
      %rem3A_59 = arith.remui %rem3A_57, %rem3A_58 : i32
      %mul3A_60 = arith.constant 128 : i32
      %mul3A_61 = arith.muli %mul3A_60, %add3A_8 : i32
      %dma_start3A_62 = arith.constant 0 : i32
      %dma_start3A_63 = arith.constant 0 : i32
      %dma_start3A_64 = tpu.memref_slice %run_scoped3A_2[%rem3A_59, %dma_start3A_62, %dma_start3A_63] : memref<2x1x128xi32, #tpu.memory_space<vmem>> -> memref<1x1x128xi32, #tpu.memory_space<vmem>>
      %dma_start3A_65 = tpu.memref_squeeze %dma_start3A_64 : memref<1x1x128xi32, #tpu.memory_space<vmem>> -> memref<1x128xi32, #tpu.memory_space<vmem>>
      %dma_start3A_66 = arith.constant 0 : i32
      %dma_start3A_67 = tpu.memref_slice %arg5[%dma_start3A_66, %mul3A_61] : memref<1x8192xi32, #tpu.memory_space<hbm>> -> memref<1x128xi32, #tpu.memory_space<hbm>>
      %dma_start3A_68 = tpu.memref_slice %run_scoped3A_3[%rem3A_59] : memref<2x!tpu.dma_semaphore, #tpu.memory_space<semaphore_mem>> -> memref<1x!tpu.dma_semaphore, #tpu.memory_space<semaphore_mem>>
      %dma_start3A_69 = tpu.memref_squeeze %dma_start3A_68 : memref<1x!tpu.dma_semaphore, #tpu.memory_space<semaphore_mem>> -> memref<!tpu.dma_semaphore, #tpu.memory_space<semaphore_mem>>
      %dma_start3A_70 = arith.constant 0 : i32
      %dma_start3A_71 = arith.constant 0 : i32
      %dma_start3A_72 = tpu.memref_slice %run_scoped3A_2[%rem3A_59, %dma_start3A_70, %dma_start3A_71] : memref<2x1x128xi32, #tpu.memory_space<vmem>> -> memref<1x1x128xi32, #tpu.memory_space<vmem>>
      %dma_start3A_73 = tpu.memref_squeeze %dma_start3A_72 : memref<1x1x128xi32, #tpu.memory_space<vmem>> -> memref<1x128xi32, #tpu.memory_space<vmem>>
      %dma_start3A_74 = arith.constant 0 : i32
      %dma_start3A_75 = tpu.memref_slice %arg5[%dma_start3A_74, %mul3A_61] : memref<1x8192xi32, #tpu.memory_space<hbm>> -> memref<1x128xi32, #tpu.memory_space<hbm>>
      tpu.enqueue_dma source(%dma_start3A_75 : memref<1x128xi32, #tpu.memory_space<hbm>>) target(%dma_start3A_73 : memref<1x128xi32, #tpu.memory_space<vmem>>) target_semaphore(%dma_start3A_69 : memref<!tpu.dma_semaphore, #tpu.memory_space<semaphore_mem>>)
      %add3A_76 = arith.constant 0 : i32
      %add3A_77 = arith.constant 1 : i32
      %add3A_78 = arith.addi %add3A_76, %add3A_77 : i32
      %select_n3A_79 = arith.constant true
      %select_n3A_80 = arith.constant 0 : i32
      %select_n3A_81 = arith.select %select_n3A_79, %add3A_78, %select_n3A_80 : i32
      "tpu.trace_stop"() : () -> ()
      %scan3A = arith.constant 0 : i32
      %scan3A_82 = arith.constant 0 : i32
      %scan3A_83 = arith.constant 0 : i32
      %scan3A_84 = arith.constant 0 : i32
      %scan3A_85 = arith.constant 0 : i32
      %scan3A_86 = arith.constant 0 : i32
      %scan3A_87 = arith.constant 0 : i32
      %scan3A_88 = arith.constant 0 : i32
      %scan3A_89 = arith.constant 4 : i32
      %scan3A_90 = arith.addi %scan3A_88, %scan3A_89 : i32
      %scan3A_91 = arith.constant 1 : i32
      %scan3A_92:9 = scf.for %scan3A_164 = %scan3A_88 to %scan3A_90 step %scan3A_91 iter_args(%scan3A_165 = %select_n3A_56, %scan3A_166 = %scan3A, %scan3A_167 = %select_n3A_81, %scan3A_168 = %scan3A_82, %scan3A_169 = %scan3A_83, %scan3A_170 = %scan3A_84, %scan3A_171 = %scan3A_85, %scan3A_172 = %scan3A_86, %scan3A_173 = %scan3A_87) -> (i32, i32, i32, i32, i32, i32, i32, i32, i32)  : i32 {
        %eq3A_174 = arith.constant 0 : i32
        %eq3A_175 = arith.cmpi eq, %scan3A_164, %eq3A_174 : i32
        %eq3A_176 = arith.constant 3 : i32
        %eq3A_177 = arith.cmpi eq, %scan3A_164, %eq3A_176 : i32
        %add3A_178 = arith.addi %scan3A_173, %mul3A_0 : i32
        %sub3A_179 = arith.constant 1 : i32
        %sub3A_180 = arith.subi %scan3A_173, %sub3A_179 : i32
        %select_n3A_181 = arith.constant true
        %select_n3A_182 = arith.select %select_n3A_181, %sub3A_180, %scan3A_173 : i32
        %eq3A_183 = arith.constant -1 : i32
        %eq3A_184 = arith.cmpi eq, %select_n3A_182, %eq3A_183 : i32
        %select_n3A_185 = arith.constant 3 : i32
        %select_n3A_186 = arith.select %eq3A_184, %select_n3A_185, %select_n3A_182 : i32
        %add3A_187 = arith.addi %select_n3A_186, %mul3A_0 : i32
        %add3A_188 = arith.constant 1 : i32
        %add3A_189 = arith.addi %scan3A_173, %add3A_188 : i32
        %select_n3A_190 = arith.constant true
        %select_n3A_191 = arith.select %select_n3A_190, %add3A_189, %scan3A_173 : i32
        %eq3A_192 = arith.constant 4 : i32
        %eq3A_193 = arith.cmpi eq, %select_n3A_191, %eq3A_192 : i32
        %select_n3A_194 = arith.constant 0 : i32
        %select_n3A_195 = arith.select %eq3A_193, %select_n3A_194, %select_n3A_191 : i32
        %add3A_196 = arith.addi %select_n3A_195, %mul3A_0 : i32
        %add3A_197 = arith.constant 1 : i32
        %add3A_198 = arith.addi %select_n3A_195, %add3A_197 : i32
        %select_n3A_199 = arith.constant true
        %select_n3A_200 = arith.select %select_n3A_199, %add3A_198, %select_n3A_195 : i32
        %eq3A_201 = arith.constant 4 : i32
        %eq3A_202 = arith.cmpi eq, %select_n3A_200, %eq3A_201 : i32
        %select_n3A_203 = arith.constant 0 : i32
        %select_n3A_204 = arith.select %eq3A_202, %select_n3A_203, %select_n3A_200 : i32
        %add3A_205 = arith.addi %select_n3A_204, %mul3A_0 : i32
        %ne3A = arith.cmpi ne, %add3A_178, %add3A_196 : i32
        %or3A = arith.constant false
        %or3A_206 = arith.ori %or3A, %ne3A : i1
        %ge3A = arith.constant 3 : i32
        %ge3A_207 = arith.cmpi sge, %scan3A_164, %ge3A : i32
        %not3A = arith.constant true
        %not3A_208 = arith.xori %ge3A_207, %not3A : i1
        %and3A = arith.andi %or3A_206, %not3A_208 : i1
        %convert_element_type3A = arith.extui %and3A : i1 to i32
        %cond3A = arith.constant 0 : i32
        %cond3A_209 = arith.cmpi ne, %convert_element_type3A, %cond3A : i32
        scf.if %cond3A_209 {
          "tpu.trace_start"() <{level = 10 : i32, message = "ep_copy_in"}> : () -> ()
          %rem3A_415 = arith.constant 2 : i32
          %rem3A_416 = arith.remui %scan3A_165, %rem3A_415 : i32
          %mul3A_417 = arith.constant 128 : i32
          %mul3A_418 = arith.muli %mul3A_417, %add3A_196 : i32
          %dma_start3A_419 = arith.constant 0 : i32
          %dma_start3A_420 = arith.constant 0 : i32
          %dma_start3A_421 = tpu.memref_slice %run_scoped3A[%rem3A_416, %dma_start3A_419, %dma_start3A_420] : memref<2x1x128xi32, #tpu.memory_space<vmem>> -> memref<1x1x128xi32, #tpu.memory_space<vmem>>
          %dma_start3A_422 = tpu.memref_squeeze %dma_start3A_421 : memref<1x1x128xi32, #tpu.memory_space<vmem>> -> memref<1x128xi32, #tpu.memory_space<vmem>>
          %dma_start3A_423 = arith.constant 0 : i32
          %dma_start3A_424 = tpu.memref_slice %arg4[%dma_start3A_423, %mul3A_418] : memref<1x8192xi32, #tpu.memory_space<hbm>> -> memref<1x128xi32, #tpu.memory_space<hbm>>
          %dma_start3A_425 = tpu.memref_slice %run_scoped3A_1[%rem3A_416] : memref<2x!tpu.dma_semaphore, #tpu.memory_space<semaphore_mem>> -> memref<1x!tpu.dma_semaphore, #tpu.memory_space<semaphore_mem>>
          %dma_start3A_426 = tpu.memref_squeeze %dma_start3A_425 : memref<1x!tpu.dma_semaphore, #tpu.memory_space<semaphore_mem>> -> memref<!tpu.dma_semaphore, #tpu.memory_space<semaphore_mem>>
          %dma_start3A_427 = arith.constant 0 : i32
          %dma_start3A_428 = arith.constant 0 : i32
          %dma_start3A_429 = tpu.memref_slice %run_scoped3A[%rem3A_416, %dma_start3A_427, %dma_start3A_428] : memref<2x1x128xi32, #tpu.memory_space<vmem>> -> memref<1x1x128xi32, #tpu.memory_space<vmem>>
          %dma_start3A_430 = tpu.memref_squeeze %dma_start3A_429 : memref<1x1x128xi32, #tpu.memory_space<vmem>> -> memref<1x128xi32, #tpu.memory_space<vmem>>
          %dma_start3A_431 = arith.constant 0 : i32
          %dma_start3A_432 = tpu.memref_slice %arg4[%dma_start3A_431, %mul3A_418] : memref<1x8192xi32, #tpu.memory_space<hbm>> -> memref<1x128xi32, #tpu.memory_space<hbm>>
          tpu.enqueue_dma source(%dma_start3A_432 : memref<1x128xi32, #tpu.memory_space<hbm>>) target(%dma_start3A_430 : memref<1x128xi32, #tpu.memory_space<vmem>>) target_semaphore(%dma_start3A_426 : memref<!tpu.dma_semaphore, #tpu.memory_space<semaphore_mem>>)
          "tpu.trace_stop"() : () -> ()
        } else {
        }
        %and3A_210 = arith.constant true
        %and3A_211 = arith.andi %and3A, %and3A_210 : i1
        %add3A_212 = arith.constant 1 : i32
        %add3A_213 = arith.addi %scan3A_165, %add3A_212 : i32
        %select_n3A_214 = arith.select %and3A_211, %add3A_213, %scan3A_165 : i32
        %ne3A_215 = arith.cmpi ne, %add3A_178, %add3A_196 : i32
        %or3A_216 = arith.constant false
        %or3A_217 = arith.ori %or3A_216, %ne3A_215 : i1
        %ge3A_218 = arith.constant 3 : i32
        %ge3A_219 = arith.cmpi sge, %scan3A_164, %ge3A_218 : i32
        %not3A_220 = arith.constant true
        %not3A_221 = arith.xori %ge3A_219, %not3A_220 : i1
        %and3A_222 = arith.andi %or3A_217, %not3A_221 : i1
        %convert_element_type3A_223 = arith.extui %and3A_222 : i1 to i32
        %cond3A_224 = arith.constant 0 : i32
        %cond3A_225 = arith.cmpi ne, %convert_element_type3A_223, %cond3A_224 : i32
        scf.if %cond3A_225 {
          "tpu.trace_start"() <{level = 10 : i32, message = "ep_copy_in"}> : () -> ()
          %rem3A_415 = arith.constant 2 : i32
          %rem3A_416 = arith.remui %scan3A_167, %rem3A_415 : i32
          %mul3A_417 = arith.constant 128 : i32
          %mul3A_418 = arith.muli %mul3A_417, %add3A_196 : i32
          %dma_start3A_419 = arith.constant 0 : i32
          %dma_start3A_420 = arith.constant 0 : i32
          %dma_start3A_421 = tpu.memref_slice %run_scoped3A_2[%rem3A_416, %dma_start3A_419, %dma_start3A_420] : memref<2x1x128xi32, #tpu.memory_space<vmem>> -> memref<1x1x128xi32, #tpu.memory_space<vmem>>
          %dma_start3A_422 = tpu.memref_squeeze %dma_start3A_421 : memref<1x1x128xi32, #tpu.memory_space<vmem>> -> memref<1x128xi32, #tpu.memory_space<vmem>>
          %dma_start3A_423 = arith.constant 0 : i32
          %dma_start3A_424 = tpu.memref_slice %arg5[%dma_start3A_423, %mul3A_418] : memref<1x8192xi32, #tpu.memory_space<hbm>> -> memref<1x128xi32, #tpu.memory_space<hbm>>
          %dma_start3A_425 = tpu.memref_slice %run_scoped3A_3[%rem3A_416] : memref<2x!tpu.dma_semaphore, #tpu.memory_space<semaphore_mem>> -> memref<1x!tpu.dma_semaphore, #tpu.memory_space<semaphore_mem>>
          %dma_start3A_426 = tpu.memref_squeeze %dma_start3A_425 : memref<1x!tpu.dma_semaphore, #tpu.memory_space<semaphore_mem>> -> memref<!tpu.dma_semaphore, #tpu.memory_space<semaphore_mem>>
          %dma_start3A_427 = arith.constant 0 : i32
          %dma_start3A_428 = arith.constant 0 : i32
          %dma_start3A_429 = tpu.memref_slice %run_scoped3A_2[%rem3A_416, %dma_start3A_427, %dma_start3A_428] : memref<2x1x128xi32, #tpu.memory_space<vmem>> -> memref<1x1x128xi32, #tpu.memory_space<vmem>>
          %dma_start3A_430 = tpu.memref_squeeze %dma_start3A_429 : memref<1x1x128xi32, #tpu.memory_space<vmem>> -> memref<1x128xi32, #tpu.memory_space<vmem>>
          %dma_start3A_431 = arith.constant 0 : i32
          %dma_start3A_432 = tpu.memref_slice %arg5[%dma_start3A_431, %mul3A_418] : memref<1x8192xi32, #tpu.memory_space<hbm>> -> memref<1x128xi32, #tpu.memory_space<hbm>>
          tpu.enqueue_dma source(%dma_start3A_432 : memref<1x128xi32, #tpu.memory_space<hbm>>) target(%dma_start3A_430 : memref<1x128xi32, #tpu.memory_space<vmem>>) target_semaphore(%dma_start3A_426 : memref<!tpu.dma_semaphore, #tpu.memory_space<semaphore_mem>>)
          "tpu.trace_stop"() : () -> ()
        } else {
        }
        %and3A_226 = arith.constant true
        %and3A_227 = arith.andi %and3A_222, %and3A_226 : i1
        %add3A_228 = arith.constant 1 : i32
        %add3A_229 = arith.addi %scan3A_167, %add3A_228 : i32
        %select_n3A_230 = arith.select %and3A_227, %add3A_229, %scan3A_167 : i32
        %ne3A_231 = arith.cmpi ne, %add3A_178, %add3A_196 : i32
        %or3A_232 = arith.constant false
        %or3A_233 = arith.ori %or3A_232, %ne3A_231 : i1
        %or3A_234 = arith.constant false
        %or3A_235 = arith.ori %or3A_233, %or3A_234 : i1
        %ge3A_236 = arith.constant 3 : i32
        %ge3A_237 = arith.cmpi sge, %scan3A_164, %ge3A_236 : i32
        %not3A_238 = arith.constant true
        %not3A_239 = arith.xori %ge3A_237, %not3A_238 : i1
        %and3A_240 = arith.andi %or3A_235, %not3A_239 : i1
        %ne3A_241 = arith.cmpi ne, %add3A_178, %add3A_196 : i32
        %or3A_242 = arith.constant false
        %or3A_243 = arith.ori %or3A_242, %ne3A_241 : i1
        %or3A_244 = arith.constant false
        %or3A_245 = arith.ori %or3A_243, %or3A_244 : i1
        %ge3A_246 = arith.constant 3 : i32
        %ge3A_247 = arith.cmpi sge, %scan3A_164, %ge3A_246 : i32
        %not3A_248 = arith.constant true
        %not3A_249 = arith.xori %ge3A_247, %not3A_248 : i1
        %and3A_250 = arith.andi %or3A_245, %not3A_249 : i1
        %ne3A_251 = arith.cmpi ne, %add3A_178, %add3A_187 : i32
        %or3A_252 = arith.constant false
        %or3A_253 = arith.ori %or3A_252, %ne3A_251 : i1
        %or3A_254 = arith.ori %or3A_253, %eq3A_175 : i1
        %convert_element_type3A_255 = arith.extui %or3A_254 : i1 to i32
        %cond3A_256 = arith.constant 0 : i32
        %cond3A_257 = arith.cmpi ne, %convert_element_type3A_255, %cond3A_256 : i32
        scf.if %cond3A_257 {
          "tpu.trace_start"() <{level = 10 : i32, message = "ep_wait_in"}> : () -> ()
          %mul3A_415 = arith.constant 128 : i32
          %mul3A_416 = arith.muli %mul3A_415, %add3A_178 : i32
          %rem3A_417 = arith.constant 2 : i32
          %rem3A_418 = arith.remui %scan3A_166, %rem3A_417 : i32
          %dma_wait3A_419 = arith.constant 0 : i32
          %dma_wait3A_420 = arith.constant 0 : i32
          %dma_wait3A_421 = tpu.memref_slice %run_scoped3A[%rem3A_418, %dma_wait3A_419, %dma_wait3A_420] : memref<2x1x128xi32, #tpu.memory_space<vmem>> -> memref<1x1x128xi32, #tpu.memory_space<vmem>>
          %dma_wait3A_422 = tpu.memref_squeeze %dma_wait3A_421 : memref<1x1x128xi32, #tpu.memory_space<vmem>> -> memref<1x128xi32, #tpu.memory_space<vmem>>
          %dma_wait3A_423 = arith.constant 0 : i32
          %dma_wait3A_424 = tpu.memref_slice %arg4[%dma_wait3A_423, %mul3A_416] : memref<1x8192xi32, #tpu.memory_space<hbm>> -> memref<1x128xi32, #tpu.memory_space<hbm>>
          %dma_wait3A_425 = tpu.memref_slice %run_scoped3A_1[%rem3A_418] : memref<2x!tpu.dma_semaphore, #tpu.memory_space<semaphore_mem>> -> memref<1x!tpu.dma_semaphore, #tpu.memory_space<semaphore_mem>>
          %dma_wait3A_426 = tpu.memref_squeeze %dma_wait3A_425 : memref<1x!tpu.dma_semaphore, #tpu.memory_space<semaphore_mem>> -> memref<!tpu.dma_semaphore, #tpu.memory_space<semaphore_mem>>
          %dma_wait3A_427 = arith.constant 0 : i32
          %dma_wait3A_428 = arith.constant 0 : i32
          %dma_wait3A_429 = tpu.memref_slice %run_scoped3A[%rem3A_418, %dma_wait3A_427, %dma_wait3A_428] : memref<2x1x128xi32, #tpu.memory_space<vmem>> -> memref<1x1x128xi32, #tpu.memory_space<vmem>>
          %dma_wait3A_430 = tpu.memref_squeeze %dma_wait3A_429 : memref<1x1x128xi32, #tpu.memory_space<vmem>> -> memref<1x128xi32, #tpu.memory_space<vmem>>
          %dma_wait3A_431 = arith.constant 0 : i32
          %dma_wait3A_432 = tpu.memref_slice %arg4[%dma_wait3A_431, %mul3A_416] : memref<1x8192xi32, #tpu.memory_space<hbm>> -> memref<1x128xi32, #tpu.memory_space<hbm>>
          tpu.wait_dma2 semaphore(%dma_wait3A_426 : memref<!tpu.dma_semaphore, #tpu.memory_space<semaphore_mem>>) src(%dma_wait3A_432 : memref<1x128xi32, #tpu.memory_space<hbm>>) dst(%dma_wait3A_430 : memref<1x128xi32, #tpu.memory_space<vmem>>)
          "tpu.trace_stop"() : () -> ()
        } else {
        }
        %ne3A_258 = arith.cmpi ne, %add3A_178, %add3A_187 : i32
        %or3A_259 = arith.constant false
        %or3A_260 = arith.ori %or3A_259, %ne3A_258 : i1
        %or3A_261 = arith.ori %or3A_260, %eq3A_175 : i1
        %convert_element_type3A_262 = arith.extui %or3A_261 : i1 to i32
        %cond3A_263 = arith.constant 0 : i32
        %cond3A_264 = arith.cmpi ne, %convert_element_type3A_262, %cond3A_263 : i32
        scf.if %cond3A_264 {
          "tpu.trace_start"() <{level = 10 : i32, message = "ep_wait_in"}> : () -> ()
          %mul3A_415 = arith.constant 128 : i32
          %mul3A_416 = arith.muli %mul3A_415, %add3A_178 : i32
          %rem3A_417 = arith.constant 2 : i32
          %rem3A_418 = arith.remui %scan3A_168, %rem3A_417 : i32
          %dma_wait3A_419 = arith.constant 0 : i32
          %dma_wait3A_420 = arith.constant 0 : i32
          %dma_wait3A_421 = tpu.memref_slice %run_scoped3A_2[%rem3A_418, %dma_wait3A_419, %dma_wait3A_420] : memref<2x1x128xi32, #tpu.memory_space<vmem>> -> memref<1x1x128xi32, #tpu.memory_space<vmem>>
          %dma_wait3A_422 = tpu.memref_squeeze %dma_wait3A_421 : memref<1x1x128xi32, #tpu.memory_space<vmem>> -> memref<1x128xi32, #tpu.memory_space<vmem>>
          %dma_wait3A_423 = arith.constant 0 : i32
          %dma_wait3A_424 = tpu.memref_slice %arg5[%dma_wait3A_423, %mul3A_416] : memref<1x8192xi32, #tpu.memory_space<hbm>> -> memref<1x128xi32, #tpu.memory_space<hbm>>
          %dma_wait3A_425 = tpu.memref_slice %run_scoped3A_3[%rem3A_418] : memref<2x!tpu.dma_semaphore, #tpu.memory_space<semaphore_mem>> -> memref<1x!tpu.dma_semaphore, #tpu.memory_space<semaphore_mem>>
          %dma_wait3A_426 = tpu.memref_squeeze %dma_wait3A_425 : memref<1x!tpu.dma_semaphore, #tpu.memory_space<semaphore_mem>> -> memref<!tpu.dma_semaphore, #tpu.memory_space<semaphore_mem>>
          %dma_wait3A_427 = arith.constant 0 : i32
          %dma_wait3A_428 = arith.constant 0 : i32
          %dma_wait3A_429 = tpu.memref_slice %run_scoped3A_2[%rem3A_418, %dma_wait3A_427, %dma_wait3A_428] : memref<2x1x128xi32, #tpu.memory_space<vmem>> -> memref<1x1x128xi32, #tpu.memory_space<vmem>>
          %dma_wait3A_430 = tpu.memref_squeeze %dma_wait3A_429 : memref<1x1x128xi32, #tpu.memory_space<vmem>> -> memref<1x128xi32, #tpu.memory_space<vmem>>
          %dma_wait3A_431 = arith.constant 0 : i32
          %dma_wait3A_432 = tpu.memref_slice %arg5[%dma_wait3A_431, %mul3A_416] : memref<1x8192xi32, #tpu.memory_space<hbm>> -> memref<1x128xi32, #tpu.memory_space<hbm>>
          tpu.wait_dma2 semaphore(%dma_wait3A_426 : memref<!tpu.dma_semaphore, #tpu.memory_space<semaphore_mem>>) src(%dma_wait3A_432 : memref<1x128xi32, #tpu.memory_space<hbm>>) dst(%dma_wait3A_430 : memref<1x128xi32, #tpu.memory_space<vmem>>)
          "tpu.trace_stop"() : () -> ()
        } else {
        }
        %ne3A_265 = arith.cmpi ne, %add3A_178, %add3A_187 : i32
        %or3A_266 = arith.constant false
        %or3A_267 = arith.ori %or3A_266, %ne3A_265 : i1
        %or3A_268 = arith.constant false
        %or3A_269 = arith.ori %or3A_267, %or3A_268 : i1
        %or3A_270 = arith.ori %or3A_269, %eq3A_175 : i1
        %convert_element_type3A_271 = arith.extui %or3A_270 : i1 to i32
        %cond3A_272 = arith.constant 0 : i32
        %cond3A_273 = arith.cmpi ne, %convert_element_type3A_271, %cond3A_272 : i32
        scf.if %cond3A_273 {
        } else {
        }
        %ne3A_274 = arith.cmpi ne, %add3A_178, %add3A_187 : i32
        %or3A_275 = arith.constant false
        %or3A_276 = arith.ori %or3A_275, %ne3A_274 : i1
        %or3A_277 = arith.constant false
        %or3A_278 = arith.ori %or3A_276, %or3A_277 : i1
        %or3A_279 = arith.ori %or3A_278, %eq3A_175 : i1
        %convert_element_type3A_280 = arith.extui %or3A_279 : i1 to i32
        %cond3A_281 = arith.constant 0 : i32
        %cond3A_282 = arith.cmpi ne, %convert_element_type3A_280, %cond3A_281 : i32
        scf.if %cond3A_282 {
        } else {
        }
        %rem3A_283 = arith.constant 2 : i32
        %rem3A_284 = arith.remui %scan3A_166, %rem3A_283 : i32
        %rem3A_285 = arith.constant 2 : i32
        %rem3A_286 = arith.remui %scan3A_168, %rem3A_285 : i32
        %rem3A_287 = arith.constant 2 : i32
        %rem3A_288 = arith.remui %scan3A_169, %rem3A_287 : i32
        %rem3A_289 = arith.constant 2 : i32
        %rem3A_290 = arith.remui %scan3A_171, %rem3A_289 : i32
        %run_scoped3A_291 = arith.constant 0 : i32
        "tpu.trace_start"() <{level = 10 : i32, message = "ep_run_kernel"}> : () -> ()
        "tpu.region"() ({
          %run_scoped3A_415 = tpu.sem_alloc : memref<!tpu.dma_semaphore, #tpu.memory_space<semaphore_mem>>
          %dma_start3A_416 = arith.constant 0 : i32
          %dma_start3A_417 = arith.constant 0 : i32
          %dma_start3A_418 = tpu.memref_slice %run_scoped3A_4[%rem3A_288, %dma_start3A_416, %dma_start3A_417] : memref<2x128x128xf32, #tpu.memory_space<vmem>> -> memref<1x128x128xf32, #tpu.memory_space<vmem>>
          %dma_start3A_419 = tpu.memref_squeeze %dma_start3A_418 : memref<1x128x128xf32, #tpu.memory_space<vmem>> -> memref<128x128xf32, #tpu.memory_space<vmem>>
          %dma_start3A_420 = arith.constant 0 : i32
          %dma_start3A_421 = arith.constant 0 : i32
          %dma_start3A_422 = tpu.memref_slice %run_scoped3A[%rem3A_284, %dma_start3A_420, %dma_start3A_421] : memref<2x1x128xi32, #tpu.memory_space<vmem>> -> memref<1x1x128xi32, #tpu.memory_space<vmem>>
          %dma_start3A_423 = tpu.memref_squeeze %dma_start3A_422 : memref<1x1x128xi32, #tpu.memory_space<vmem>> -> memref<1x128xi32, #tpu.memory_space<vmem>>
          %dma_start3A_424 = arith.constant 0 : i32
          %dma_start3A_425 = tpu.memref_slice %dma_start3A_423[%run_scoped3A_291, %dma_start3A_424] : memref<1x128xi32, #tpu.memory_space<vmem>> -> memref<1x128xi32, #tpu.memory_space<vmem>>
          %dma_start3A_426 = tpu.memref_squeeze %dma_start3A_425 : memref<1x128xi32, #tpu.memory_space<vmem>> -> memref<128xi32, #tpu.memory_space<vmem>>
          %dma_start3A_427 = arith.constant 0 : i32
          %dma_start3A_428 = arith.constant 0 : i32
          %dma_start3A_429 = tpu.memref_slice %arg2[%dma_start3A_427, %dma_start3A_428] : memref<50000x128xf32, #tpu.memory_space<hbm>> -> memref<50000x128xf32, #tpu.memory_space<hbm>>
          tpu.enqueue_indirect_dma source(%dma_start3A_429 : memref<50000x128xf32, #tpu.memory_space<hbm>>) target(%dma_start3A_419 : memref<128x128xf32, #tpu.memory_space<vmem>>) offsets(%dma_start3A_426 : memref<128xi32, #tpu.memory_space<vmem>>) semaphore(%run_scoped3A_415 : memref<!tpu.dma_semaphore, #tpu.memory_space<semaphore_mem>>)
          %dma_wait3A_430 = arith.constant 0 : i32
          %dma_wait3A_431 = arith.constant 0 : i32
          %dma_wait3A_432 = tpu.memref_slice %run_scoped3A_4[%rem3A_288, %dma_wait3A_430, %dma_wait3A_431] : memref<2x128x128xf32, #tpu.memory_space<vmem>> -> memref<1x128x128xf32, #tpu.memory_space<vmem>>
          %dma_wait3A_433 = tpu.memref_squeeze %dma_wait3A_432 : memref<1x128x128xf32, #tpu.memory_space<vmem>> -> memref<128x128xf32, #tpu.memory_space<vmem>>
          %dma_wait3A_434 = arith.constant 0 : i32
          %dma_wait3A_435 = arith.constant 0 : i32
          %dma_wait3A_436 = tpu.memref_slice %run_scoped3A[%rem3A_284, %dma_wait3A_434, %dma_wait3A_435] : memref<2x1x128xi32, #tpu.memory_space<vmem>> -> memref<1x1x128xi32, #tpu.memory_space<vmem>>
          %dma_wait3A_437 = tpu.memref_squeeze %dma_wait3A_436 : memref<1x1x128xi32, #tpu.memory_space<vmem>> -> memref<1x128xi32, #tpu.memory_space<vmem>>
          %dma_wait3A_438 = arith.constant 0 : i32
          %dma_wait3A_439 = tpu.memref_slice %dma_wait3A_437[%run_scoped3A_291, %dma_wait3A_438] : memref<1x128xi32, #tpu.memory_space<vmem>> -> memref<1x128xi32, #tpu.memory_space<vmem>>
          %dma_wait3A_440 = tpu.memref_squeeze %dma_wait3A_439 : memref<1x128xi32, #tpu.memory_space<vmem>> -> memref<128xi32, #tpu.memory_space<vmem>>
          %dma_wait3A_441 = arith.constant 0 : i32
          %dma_wait3A_442 = arith.constant 0 : i32
          %dma_wait3A_443 = tpu.memref_slice %arg2[%dma_wait3A_441, %dma_wait3A_442] : memref<50000x128xf32, #tpu.memory_space<hbm>> -> memref<50000x128xf32, #tpu.memory_space<hbm>>
          tpu.wait_indirect_dma semaphore(%run_scoped3A_415 : memref<!tpu.dma_semaphore, #tpu.memory_space<semaphore_mem>>) src(%dma_wait3A_443 : memref<50000x128xf32, #tpu.memory_space<hbm>>) dst(%dma_wait3A_433 : memref<128x128xf32, #tpu.memory_space<vmem>>)
          tpu.yield
        }) : () -> ()
        %run_scoped3A_292 = arith.constant 0 : i32
        "tpu.region"() ({
          %run_scoped3A_415 = tpu.sem_alloc : memref<!tpu.dma_semaphore, #tpu.memory_space<semaphore_mem>>
          %dma_start3A_416 = arith.constant 0 : i32
          %dma_start3A_417 = arith.constant 0 : i32
          %dma_start3A_418 = tpu.memref_slice %run_scoped3A_6[%rem3A_290, %dma_start3A_416, %dma_start3A_417] : memref<2x128x128xf32, #tpu.memory_space<vmem>> -> memref<1x128x128xf32, #tpu.memory_space<vmem>>
          %dma_start3A_419 = tpu.memref_squeeze %dma_start3A_418 : memref<1x128x128xf32, #tpu.memory_space<vmem>> -> memref<128x128xf32, #tpu.memory_space<vmem>>
          %dma_start3A_420 = arith.constant 0 : i32
          %dma_start3A_421 = arith.constant 0 : i32
          %dma_start3A_422 = tpu.memref_slice %run_scoped3A_2[%rem3A_286, %dma_start3A_420, %dma_start3A_421] : memref<2x1x128xi32, #tpu.memory_space<vmem>> -> memref<1x1x128xi32, #tpu.memory_space<vmem>>
          %dma_start3A_423 = tpu.memref_squeeze %dma_start3A_422 : memref<1x1x128xi32, #tpu.memory_space<vmem>> -> memref<1x128xi32, #tpu.memory_space<vmem>>
          %dma_start3A_424 = arith.constant 0 : i32
          %dma_start3A_425 = tpu.memref_slice %dma_start3A_423[%run_scoped3A_292, %dma_start3A_424] : memref<1x128xi32, #tpu.memory_space<vmem>> -> memref<1x128xi32, #tpu.memory_space<vmem>>
          %dma_start3A_426 = tpu.memref_squeeze %dma_start3A_425 : memref<1x128xi32, #tpu.memory_space<vmem>> -> memref<128xi32, #tpu.memory_space<vmem>>
          %dma_start3A_427 = arith.constant 0 : i32
          %dma_start3A_428 = arith.constant 0 : i32
          %dma_start3A_429 = tpu.memref_slice %arg3[%dma_start3A_427, %dma_start3A_428] : memref<2048x128xf32, #tpu.memory_space<hbm>> -> memref<2048x128xf32, #tpu.memory_space<hbm>>
          tpu.enqueue_indirect_dma source(%dma_start3A_429 : memref<2048x128xf32, #tpu.memory_space<hbm>>) target(%dma_start3A_419 : memref<128x128xf32, #tpu.memory_space<vmem>>) offsets(%dma_start3A_426 : memref<128xi32, #tpu.memory_space<vmem>>) semaphore(%run_scoped3A_415 : memref<!tpu.dma_semaphore, #tpu.memory_space<semaphore_mem>>)
          %dma_wait3A_430 = arith.constant 0 : i32
          %dma_wait3A_431 = arith.constant 0 : i32
          %dma_wait3A_432 = tpu.memref_slice %run_scoped3A_6[%rem3A_290, %dma_wait3A_430, %dma_wait3A_431] : memref<2x128x128xf32, #tpu.memory_space<vmem>> -> memref<1x128x128xf32, #tpu.memory_space<vmem>>
          %dma_wait3A_433 = tpu.memref_squeeze %dma_wait3A_432 : memref<1x128x128xf32, #tpu.memory_space<vmem>> -> memref<128x128xf32, #tpu.memory_space<vmem>>
          %dma_wait3A_434 = arith.constant 0 : i32
          %dma_wait3A_435 = arith.constant 0 : i32
          %dma_wait3A_436 = tpu.memref_slice %run_scoped3A_2[%rem3A_286, %dma_wait3A_434, %dma_wait3A_435] : memref<2x1x128xi32, #tpu.memory_space<vmem>> -> memref<1x1x128xi32, #tpu.memory_space<vmem>>
          %dma_wait3A_437 = tpu.memref_squeeze %dma_wait3A_436 : memref<1x1x128xi32, #tpu.memory_space<vmem>> -> memref<1x128xi32, #tpu.memory_space<vmem>>
          %dma_wait3A_438 = arith.constant 0 : i32
          %dma_wait3A_439 = tpu.memref_slice %dma_wait3A_437[%run_scoped3A_292, %dma_wait3A_438] : memref<1x128xi32, #tpu.memory_space<vmem>> -> memref<1x128xi32, #tpu.memory_space<vmem>>
          %dma_wait3A_440 = tpu.memref_squeeze %dma_wait3A_439 : memref<1x128xi32, #tpu.memory_space<vmem>> -> memref<128xi32, #tpu.memory_space<vmem>>
          %dma_wait3A_441 = arith.constant 0 : i32
          %dma_wait3A_442 = arith.constant 0 : i32
          %dma_wait3A_443 = tpu.memref_slice %arg3[%dma_wait3A_441, %dma_wait3A_442] : memref<2048x128xf32, #tpu.memory_space<hbm>> -> memref<2048x128xf32, #tpu.memory_space<hbm>>
          tpu.wait_indirect_dma semaphore(%run_scoped3A_415 : memref<!tpu.dma_semaphore, #tpu.memory_space<semaphore_mem>>) src(%dma_wait3A_443 : memref<2048x128xf32, #tpu.memory_space<hbm>>) dst(%dma_wait3A_433 : memref<128x128xf32, #tpu.memory_space<vmem>>)
          tpu.yield
        }) : () -> ()
        "tpu.trace_stop"() : () -> ()
        %ne3A_293 = arith.cmpi ne, %add3A_178, %add3A_196 : i32
        %or3A_294 = arith.constant false
        %or3A_295 = arith.ori %or3A_294, %ne3A_293 : i1
        %or3A_296 = arith.ori %or3A_295, %eq3A_177 : i1
        %convert_element_type3A_297 = arith.extui %or3A_296 : i1 to i32
        %cond3A_298 = arith.constant 0 : i32
        %cond3A_299 = arith.cmpi ne, %convert_element_type3A_297, %cond3A_298 : i32
        scf.if %cond3A_299 {
        } else {
        }
        %and3A_300 = arith.constant false
        %and3A_301 = arith.andi %or3A_296, %and3A_300 : i1
        %ne3A_302 = arith.cmpi ne, %add3A_178, %add3A_196 : i32
        %or3A_303 = arith.constant false
        %or3A_304 = arith.ori %or3A_303, %ne3A_302 : i1
        %or3A_305 = arith.ori %or3A_304, %eq3A_177 : i1
        %convert_element_type3A_306 = arith.extui %or3A_305 : i1 to i32
        %cond3A_307 = arith.constant 0 : i32
        %cond3A_308 = arith.cmpi ne, %convert_element_type3A_306, %cond3A_307 : i32
        scf.if %cond3A_308 {
        } else {
        }
        %and3A_309 = arith.constant false
        %and3A_310 = arith.andi %or3A_305, %and3A_309 : i1
        %ne3A_311 = arith.cmpi ne, %add3A_178, %add3A_196 : i32
        %or3A_312 = arith.constant false
        %or3A_313 = arith.ori %or3A_312, %ne3A_311 : i1
        %or3A_314 = arith.constant false
        %or3A_315 = arith.ori %or3A_313, %or3A_314 : i1
        %or3A_316 = arith.ori %or3A_315, %eq3A_177 : i1
        %convert_element_type3A_317 = arith.extui %or3A_316 : i1 to i32
        %cond3A_318 = arith.constant 0 : i32
        %cond3A_319 = arith.cmpi ne, %convert_element_type3A_317, %cond3A_318 : i32
        scf.if %cond3A_319 {
          "tpu.trace_start"() <{level = 10 : i32, message = "ep_copy_out"}> : () -> ()
          %rem3A_415 = arith.constant 2 : i32
          %rem3A_416 = arith.remui %scan3A_169, %rem3A_415 : i32
          %mul3A_417 = arith.constant 128 : i32
          %mul3A_418 = arith.muli %mul3A_417, %add3A_178 : i32
          %dma_start3A_419 = arith.constant 0 : i32
          %dma_start3A_420 = arith.constant 0 : i32
          %dma_start3A_421 = tpu.memref_slice %run_scoped3A_4[%rem3A_416, %dma_start3A_419, %dma_start3A_420] : memref<2x128x128xf32, #tpu.memory_space<vmem>> -> memref<1x128x128xf32, #tpu.memory_space<vmem>>
          %dma_start3A_422 = tpu.memref_squeeze %dma_start3A_421 : memref<1x128x128xf32, #tpu.memory_space<vmem>> -> memref<128x128xf32, #tpu.memory_space<vmem>>
          %dma_start3A_423 = arith.constant 0 : i32
          %dma_start3A_424 = tpu.memref_slice %arg6[%mul3A_418, %dma_start3A_423] : memref<8192x128xf32, #tpu.memory_space<hbm>> -> memref<128x128xf32, #tpu.memory_space<hbm>>
          %dma_start3A_425 = tpu.memref_slice %run_scoped3A_5[%rem3A_416] : memref<2x!tpu.dma_semaphore, #tpu.memory_space<semaphore_mem>> -> memref<1x!tpu.dma_semaphore, #tpu.memory_space<semaphore_mem>>
          %dma_start3A_426 = tpu.memref_squeeze %dma_start3A_425 : memref<1x!tpu.dma_semaphore, #tpu.memory_space<semaphore_mem>> -> memref<!tpu.dma_semaphore, #tpu.memory_space<semaphore_mem>>
          %dma_start3A_427 = arith.constant 0 : i32
          %dma_start3A_428 = tpu.memref_slice %arg6[%mul3A_418, %dma_start3A_427] : memref<8192x128xf32, #tpu.memory_space<hbm>> -> memref<128x128xf32, #tpu.memory_space<hbm>>
          %dma_start3A_429 = arith.constant 0 : i32
          %dma_start3A_430 = arith.constant 0 : i32
          %dma_start3A_431 = tpu.memref_slice %run_scoped3A_4[%rem3A_416, %dma_start3A_429, %dma_start3A_430] : memref<2x128x128xf32, #tpu.memory_space<vmem>> -> memref<1x128x128xf32, #tpu.memory_space<vmem>>
          %dma_start3A_432 = tpu.memref_squeeze %dma_start3A_431 : memref<1x128x128xf32, #tpu.memory_space<vmem>> -> memref<128x128xf32, #tpu.memory_space<vmem>>
          tpu.enqueue_dma source(%dma_start3A_432 : memref<128x128xf32, #tpu.memory_space<vmem>>) target(%dma_start3A_428 : memref<128x128xf32, #tpu.memory_space<hbm>>) target_semaphore(%dma_start3A_426 : memref<!tpu.dma_semaphore, #tpu.memory_space<semaphore_mem>>)
          "tpu.trace_stop"() : () -> ()
        } else {
        }
        %and3A_320 = arith.constant true
        %and3A_321 = arith.andi %or3A_316, %and3A_320 : i1
        %add3A_322 = arith.constant 1 : i32
        %add3A_323 = arith.addi %scan3A_169, %add3A_322 : i32
        %select_n3A_324 = arith.select %and3A_321, %add3A_323, %scan3A_169 : i32
        %ne3A_325 = arith.cmpi ne, %add3A_178, %add3A_196 : i32
        %or3A_326 = arith.constant false
        %or3A_327 = arith.ori %or3A_326, %ne3A_325 : i1
        %or3A_328 = arith.constant false
        %or3A_329 = arith.ori %or3A_327, %or3A_328 : i1
        %or3A_330 = arith.ori %or3A_329, %eq3A_177 : i1
        %convert_element_type3A_331 = arith.extui %or3A_330 : i1 to i32
        %cond3A_332 = arith.constant 0 : i32
        %cond3A_333 = arith.cmpi ne, %convert_element_type3A_331, %cond3A_332 : i32
        scf.if %cond3A_333 {
          "tpu.trace_start"() <{level = 10 : i32, message = "ep_copy_out"}> : () -> ()
          %rem3A_415 = arith.constant 2 : i32
          %rem3A_416 = arith.remui %scan3A_171, %rem3A_415 : i32
          %mul3A_417 = arith.constant 128 : i32
          %mul3A_418 = arith.muli %mul3A_417, %add3A_178 : i32
          %dma_start3A_419 = arith.constant 0 : i32
          %dma_start3A_420 = arith.constant 0 : i32
          %dma_start3A_421 = tpu.memref_slice %run_scoped3A_6[%rem3A_416, %dma_start3A_419, %dma_start3A_420] : memref<2x128x128xf32, #tpu.memory_space<vmem>> -> memref<1x128x128xf32, #tpu.memory_space<vmem>>
          %dma_start3A_422 = tpu.memref_squeeze %dma_start3A_421 : memref<1x128x128xf32, #tpu.memory_space<vmem>> -> memref<128x128xf32, #tpu.memory_space<vmem>>
          %dma_start3A_423 = arith.constant 0 : i32
          %dma_start3A_424 = tpu.memref_slice %arg7[%mul3A_418, %dma_start3A_423] : memref<8192x128xf32, #tpu.memory_space<hbm>> -> memref<128x128xf32, #tpu.memory_space<hbm>>
          %dma_start3A_425 = tpu.memref_slice %run_scoped3A_7[%rem3A_416] : memref<2x!tpu.dma_semaphore, #tpu.memory_space<semaphore_mem>> -> memref<1x!tpu.dma_semaphore, #tpu.memory_space<semaphore_mem>>
          %dma_start3A_426 = tpu.memref_squeeze %dma_start3A_425 : memref<1x!tpu.dma_semaphore, #tpu.memory_space<semaphore_mem>> -> memref<!tpu.dma_semaphore, #tpu.memory_space<semaphore_mem>>
          %dma_start3A_427 = arith.constant 0 : i32
          %dma_start3A_428 = tpu.memref_slice %arg7[%mul3A_418, %dma_start3A_427] : memref<8192x128xf32, #tpu.memory_space<hbm>> -> memref<128x128xf32, #tpu.memory_space<hbm>>
          %dma_start3A_429 = arith.constant 0 : i32
          %dma_start3A_430 = arith.constant 0 : i32
          %dma_start3A_431 = tpu.memref_slice %run_scoped3A_6[%rem3A_416, %dma_start3A_429, %dma_start3A_430] : memref<2x128x128xf32, #tpu.memory_space<vmem>> -> memref<1x128x128xf32, #tpu.memory_space<vmem>>
          %dma_start3A_432 = tpu.memref_squeeze %dma_start3A_431 : memref<1x128x128xf32, #tpu.memory_space<vmem>> -> memref<128x128xf32, #tpu.memory_space<vmem>>
          tpu.enqueue_dma source(%dma_start3A_432 : memref<128x128xf32, #tpu.memory_space<vmem>>) target(%dma_start3A_428 : memref<128x128xf32, #tpu.memory_space<hbm>>) target_semaphore(%dma_start3A_426 : memref<!tpu.dma_semaphore, #tpu.memory_space<semaphore_mem>>)
          "tpu.trace_stop"() : () -> ()
        } else {
        }
        %and3A_334 = arith.constant true
        %and3A_335 = arith.andi %or3A_330, %and3A_334 : i1
        %add3A_336 = arith.constant 1 : i32
        %add3A_337 = arith.addi %scan3A_171, %add3A_336 : i32
        %select_n3A_338 = arith.select %and3A_335, %add3A_337, %scan3A_171 : i32
        %ne3A_339 = arith.cmpi ne, %add3A_178, %add3A_187 : i32
        %or3A_340 = arith.constant false
        %or3A_341 = arith.ori %or3A_340, %ne3A_339 : i1
        %not3A_342 = arith.constant true
        %not3A_343 = arith.xori %eq3A_175, %not3A_342 : i1
        %and3A_344 = arith.andi %or3A_341, %not3A_343 : i1
        %convert_element_type3A_345 = arith.extui %and3A_344 : i1 to i32
        %cond3A_346 = arith.constant 0 : i32
        %cond3A_347 = arith.cmpi ne, %convert_element_type3A_345, %cond3A_346 : i32
        scf.if %cond3A_347 {
        } else {
        }
        %and3A_348 = arith.constant false
        %and3A_349 = arith.andi %and3A_344, %and3A_348 : i1
        %ne3A_350 = arith.cmpi ne, %add3A_178, %add3A_187 : i32
        %or3A_351 = arith.constant false
        %or3A_352 = arith.ori %or3A_351, %ne3A_350 : i1
        %not3A_353 = arith.constant true
        %not3A_354 = arith.xori %eq3A_175, %not3A_353 : i1
        %and3A_355 = arith.andi %or3A_352, %not3A_354 : i1
        %convert_element_type3A_356 = arith.extui %and3A_355 : i1 to i32
        %cond3A_357 = arith.constant 0 : i32
        %cond3A_358 = arith.cmpi ne, %convert_element_type3A_356, %cond3A_357 : i32
        scf.if %cond3A_358 {
        } else {
        }
        %and3A_359 = arith.constant false
        %and3A_360 = arith.andi %and3A_355, %and3A_359 : i1
        %ne3A_361 = arith.cmpi ne, %add3A_178, %add3A_187 : i32
        %or3A_362 = arith.constant false
        %or3A_363 = arith.ori %or3A_362, %ne3A_361 : i1
        %or3A_364 = arith.constant false
        %or3A_365 = arith.ori %or3A_363, %or3A_364 : i1
        %not3A_366 = arith.constant true
        %not3A_367 = arith.xori %eq3A_175, %not3A_366 : i1
        %and3A_368 = arith.andi %or3A_365, %not3A_367 : i1
        %convert_element_type3A_369 = arith.extui %and3A_368 : i1 to i32
        %cond3A_370 = arith.constant 0 : i32
        %cond3A_371 = arith.cmpi ne, %convert_element_type3A_369, %cond3A_370 : i32
        scf.if %cond3A_371 {
          "tpu.trace_start"() <{level = 10 : i32, message = "ep_wait_out"}> : () -> ()
          %rem3A_415 = arith.constant 2 : i32
          %rem3A_416 = arith.remui %scan3A_170, %rem3A_415 : i32
          %mul3A_417 = arith.constant 128 : i32
          %mul3A_418 = arith.muli %mul3A_417, %add3A_187 : i32
          %dma_wait3A_419 = arith.constant 0 : i32
          %dma_wait3A_420 = arith.constant 0 : i32
          %dma_wait3A_421 = tpu.memref_slice %run_scoped3A_4[%rem3A_416, %dma_wait3A_419, %dma_wait3A_420] : memref<2x128x128xf32, #tpu.memory_space<vmem>> -> memref<1x128x128xf32, #tpu.memory_space<vmem>>
          %dma_wait3A_422 = tpu.memref_squeeze %dma_wait3A_421 : memref<1x128x128xf32, #tpu.memory_space<vmem>> -> memref<128x128xf32, #tpu.memory_space<vmem>>
          %dma_wait3A_423 = arith.constant 0 : i32
          %dma_wait3A_424 = tpu.memref_slice %arg6[%mul3A_418, %dma_wait3A_423] : memref<8192x128xf32, #tpu.memory_space<hbm>> -> memref<128x128xf32, #tpu.memory_space<hbm>>
          %dma_wait3A_425 = tpu.memref_slice %run_scoped3A_5[%rem3A_416] : memref<2x!tpu.dma_semaphore, #tpu.memory_space<semaphore_mem>> -> memref<1x!tpu.dma_semaphore, #tpu.memory_space<semaphore_mem>>
          %dma_wait3A_426 = tpu.memref_squeeze %dma_wait3A_425 : memref<1x!tpu.dma_semaphore, #tpu.memory_space<semaphore_mem>> -> memref<!tpu.dma_semaphore, #tpu.memory_space<semaphore_mem>>
          %dma_wait3A_427 = arith.constant 0 : i32
          %dma_wait3A_428 = tpu.memref_slice %arg6[%mul3A_418, %dma_wait3A_427] : memref<8192x128xf32, #tpu.memory_space<hbm>> -> memref<128x128xf32, #tpu.memory_space<hbm>>
          %dma_wait3A_429 = arith.constant 0 : i32
          %dma_wait3A_430 = arith.constant 0 : i32
          %dma_wait3A_431 = tpu.memref_slice %run_scoped3A_4[%rem3A_416, %dma_wait3A_429, %dma_wait3A_430] : memref<2x128x128xf32, #tpu.memory_space<vmem>> -> memref<1x128x128xf32, #tpu.memory_space<vmem>>
          %dma_wait3A_432 = tpu.memref_squeeze %dma_wait3A_431 : memref<1x128x128xf32, #tpu.memory_space<vmem>> -> memref<128x128xf32, #tpu.memory_space<vmem>>
          tpu.wait_dma2 semaphore(%dma_wait3A_426 : memref<!tpu.dma_semaphore, #tpu.memory_space<semaphore_mem>>) src(%dma_wait3A_432 : memref<128x128xf32, #tpu.memory_space<vmem>>) dst(%dma_wait3A_428 : memref<128x128xf32, #tpu.memory_space<hbm>>)
          "tpu.trace_stop"() : () -> ()
        } else {
        }
        %and3A_372 = arith.constant true
        %and3A_373 = arith.andi %and3A_368, %and3A_372 : i1
        %add3A_374 = arith.constant 1 : i32
        %add3A_375 = arith.addi %scan3A_170, %add3A_374 : i32
        %select_n3A_376 = arith.select %and3A_373, %add3A_375, %scan3A_170 : i32
        %ne3A_377 = arith.cmpi ne, %add3A_178, %add3A_187 : i32
        %or3A_378 = arith.constant false
        %or3A_379 = arith.ori %or3A_378, %ne3A_377 : i1
        %or3A_380 = arith.constant false
        %or3A_381 = arith.ori %or3A_379, %or3A_380 : i1
        %not3A_382 = arith.constant true
        %not3A_383 = arith.xori %eq3A_175, %not3A_382 : i1
        %and3A_384 = arith.andi %or3A_381, %not3A_383 : i1
        %convert_element_type3A_385 = arith.extui %and3A_384 : i1 to i32
        %cond3A_386 = arith.constant 0 : i32
        %cond3A_387 = arith.cmpi ne, %convert_element_type3A_385, %cond3A_386 : i32
        scf.if %cond3A_387 {
          "tpu.trace_start"() <{level = 10 : i32, message = "ep_wait_out"}> : () -> ()
          %rem3A_415 = arith.constant 2 : i32
          %rem3A_416 = arith.remui %scan3A_172, %rem3A_415 : i32
          %mul3A_417 = arith.constant 128 : i32
          %mul3A_418 = arith.muli %mul3A_417, %add3A_187 : i32
          %dma_wait3A_419 = arith.constant 0 : i32
          %dma_wait3A_420 = arith.constant 0 : i32
          %dma_wait3A_421 = tpu.memref_slice %run_scoped3A_6[%rem3A_416, %dma_wait3A_419, %dma_wait3A_420] : memref<2x128x128xf32, #tpu.memory_space<vmem>> -> memref<1x128x128xf32, #tpu.memory_space<vmem>>
          %dma_wait3A_422 = tpu.memref_squeeze %dma_wait3A_421 : memref<1x128x128xf32, #tpu.memory_space<vmem>> -> memref<128x128xf32, #tpu.memory_space<vmem>>
          %dma_wait3A_423 = arith.constant 0 : i32
          %dma_wait3A_424 = tpu.memref_slice %arg7[%mul3A_418, %dma_wait3A_423] : memref<8192x128xf32, #tpu.memory_space<hbm>> -> memref<128x128xf32, #tpu.memory_space<hbm>>
          %dma_wait3A_425 = tpu.memref_slice %run_scoped3A_7[%rem3A_416] : memref<2x!tpu.dma_semaphore, #tpu.memory_space<semaphore_mem>> -> memref<1x!tpu.dma_semaphore, #tpu.memory_space<semaphore_mem>>
          %dma_wait3A_426 = tpu.memref_squeeze %dma_wait3A_425 : memref<1x!tpu.dma_semaphore, #tpu.memory_space<semaphore_mem>> -> memref<!tpu.dma_semaphore, #tpu.memory_space<semaphore_mem>>
          %dma_wait3A_427 = arith.constant 0 : i32
          %dma_wait3A_428 = tpu.memref_slice %arg7[%mul3A_418, %dma_wait3A_427] : memref<8192x128xf32, #tpu.memory_space<hbm>> -> memref<128x128xf32, #tpu.memory_space<hbm>>
          %dma_wait3A_429 = arith.constant 0 : i32
          %dma_wait3A_430 = arith.constant 0 : i32
          %dma_wait3A_431 = tpu.memref_slice %run_scoped3A_6[%rem3A_416, %dma_wait3A_429, %dma_wait3A_430] : memref<2x128x128xf32, #tpu.memory_space<vmem>> -> memref<1x128x128xf32, #tpu.memory_space<vmem>>
          %dma_wait3A_432 = tpu.memref_squeeze %dma_wait3A_431 : memref<1x128x128xf32, #tpu.memory_space<vmem>> -> memref<128x128xf32, #tpu.memory_space<vmem>>
          tpu.wait_dma2 semaphore(%dma_wait3A_426 : memref<!tpu.dma_semaphore, #tpu.memory_space<semaphore_mem>>) src(%dma_wait3A_432 : memref<128x128xf32, #tpu.memory_space<vmem>>) dst(%dma_wait3A_428 : memref<128x128xf32, #tpu.memory_space<hbm>>)
          "tpu.trace_stop"() : () -> ()
        } else {
        }
        %and3A_388 = arith.constant true
        %and3A_389 = arith.andi %and3A_384, %and3A_388 : i1
        %add3A_390 = arith.constant 1 : i32
        %add3A_391 = arith.addi %scan3A_172, %add3A_390 : i32
        %select_n3A_392 = arith.select %and3A_389, %add3A_391, %scan3A_172 : i32
        %ne3A_393 = arith.cmpi ne, %add3A_178, %add3A_196 : i32
        %or3A_394 = arith.constant false
        %or3A_395 = arith.ori %or3A_394, %ne3A_393 : i1
        %or3A_396 = arith.ori %or3A_395, %eq3A_177 : i1
        %add3A_397 = arith.constant 1 : i32
        %add3A_398 = arith.addi %scan3A_166, %add3A_397 : i32
        %select_n3A_399 = arith.select %or3A_396, %add3A_398, %scan3A_166 : i32
        %ne3A_400 = arith.cmpi ne, %add3A_178, %add3A_196 : i32
        %or3A_401 = arith.constant false
        %or3A_402 = arith.ori %or3A_401, %ne3A_400 : i1
        %or3A_403 = arith.ori %or3A_402, %eq3A_177 : i1
        %add3A_404 = arith.constant 1 : i32
        %add3A_405 = arith.addi %scan3A_168, %add3A_404 : i32
        %select_n3A_406 = arith.select %or3A_403, %add3A_405, %scan3A_168 : i32
        %add3A_407 = arith.constant 1 : i32
        %add3A_408 = arith.addi %scan3A_173, %add3A_407 : i32
        %select_n3A_409 = arith.constant true
        %select_n3A_410 = arith.select %select_n3A_409, %add3A_408, %scan3A_173 : i32
        %eq3A_411 = arith.constant 4 : i32
        %eq3A_412 = arith.cmpi eq, %select_n3A_410, %eq3A_411 : i32
        %select_n3A_413 = arith.constant 0 : i32
        %select_n3A_414 = arith.select %eq3A_412, %select_n3A_413, %select_n3A_410 : i32
        scf.yield %select_n3A_214, %select_n3A_399, %select_n3A_230, %select_n3A_406, %select_n3A_324, %select_n3A_376, %select_n3A_338, %select_n3A_392, %select_n3A_414 : i32, i32, i32, i32, i32, i32, i32, i32, i32
      }
      %scan3A_93 = arith.constant 4 : i32
      %sub3A = arith.constant 1 : i32
      %sub3A_94 = arith.subi %scan3A_92#8, %sub3A : i32
      %select_n3A_95 = arith.constant true
      %select_n3A_96 = arith.select %select_n3A_95, %sub3A_94, %scan3A_92#8 : i32
      %eq3A_97 = arith.constant -1 : i32
      %eq3A_98 = arith.cmpi eq, %select_n3A_96, %eq3A_97 : i32
      %select_n3A_99 = arith.constant 3 : i32
      %select_n3A_100 = arith.select %eq3A_98, %select_n3A_99, %select_n3A_96 : i32
      %add3A_101 = arith.addi %select_n3A_100, %mul3A_0 : i32
      %sub3A_102 = arith.constant 1 : i32
      %sub3A_103 = arith.subi %select_n3A_100, %sub3A_102 : i32
      %select_n3A_104 = arith.constant true
      %select_n3A_105 = arith.select %select_n3A_104, %sub3A_103, %select_n3A_100 : i32
      %eq3A_106 = arith.constant -1 : i32
      %eq3A_107 = arith.cmpi eq, %select_n3A_105, %eq3A_106 : i32
      %select_n3A_108 = arith.constant 3 : i32
      %select_n3A_109 = arith.select %eq3A_107, %select_n3A_108, %select_n3A_105 : i32
      %add3A_110 = arith.addi %select_n3A_109, %mul3A_0 : i32
      %add3A_111 = arith.constant 1 : i32
      %add3A_112 = arith.addi %select_n3A_100, %add3A_111 : i32
      %select_n3A_113 = arith.constant true
      %select_n3A_114 = arith.select %select_n3A_113, %add3A_112, %select_n3A_100 : i32
      %eq3A_115 = arith.constant 4 : i32
      %eq3A_116 = arith.cmpi eq, %select_n3A_114, %eq3A_115 : i32
      %select_n3A_117 = arith.constant 0 : i32
      %select_n3A_118 = arith.select %eq3A_116, %select_n3A_117, %select_n3A_114 : i32
      %add3A_119 = arith.addi %select_n3A_118, %mul3A_0 : i32
      %add3A_120 = arith.constant 1 : i32
      %add3A_121 = arith.addi %select_n3A_118, %add3A_120 : i32
      %select_n3A_122 = arith.constant true
      %select_n3A_123 = arith.select %select_n3A_122, %add3A_121, %select_n3A_118 : i32
      %eq3A_124 = arith.constant 4 : i32
      %eq3A_125 = arith.cmpi eq, %select_n3A_123, %eq3A_124 : i32
      %select_n3A_126 = arith.constant 0 : i32
      %select_n3A_127 = arith.select %eq3A_125, %select_n3A_126, %select_n3A_123 : i32
      %add3A_128 = arith.addi %select_n3A_127, %mul3A_0 : i32
      "tpu.trace_start"() <{level = 10 : i32, message = "ep_finalize"}> : () -> ()
      %rem3A_129 = arith.constant 2 : i32
      %rem3A_130 = arith.remui %scan3A_92#5, %rem3A_129 : i32
      %mul3A_131 = arith.constant 128 : i32
      %mul3A_132 = arith.muli %mul3A_131, %add3A_101 : i32
      %dma_wait3A = arith.constant 0 : i32
      %dma_wait3A_133 = arith.constant 0 : i32
      %dma_wait3A_134 = tpu.memref_slice %run_scoped3A_4[%rem3A_130, %dma_wait3A, %dma_wait3A_133] : memref<2x128x128xf32, #tpu.memory_space<vmem>> -> memref<1x128x128xf32, #tpu.memory_space<vmem>>
      %dma_wait3A_135 = tpu.memref_squeeze %dma_wait3A_134 : memref<1x128x128xf32, #tpu.memory_space<vmem>> -> memref<128x128xf32, #tpu.memory_space<vmem>>
      %dma_wait3A_136 = arith.constant 0 : i32
      %dma_wait3A_137 = tpu.memref_slice %arg6[%mul3A_132, %dma_wait3A_136] : memref<8192x128xf32, #tpu.memory_space<hbm>> -> memref<128x128xf32, #tpu.memory_space<hbm>>
      %dma_wait3A_138 = tpu.memref_slice %run_scoped3A_5[%rem3A_130] : memref<2x!tpu.dma_semaphore, #tpu.memory_space<semaphore_mem>> -> memref<1x!tpu.dma_semaphore, #tpu.memory_space<semaphore_mem>>
      %dma_wait3A_139 = tpu.memref_squeeze %dma_wait3A_138 : memref<1x!tpu.dma_semaphore, #tpu.memory_space<semaphore_mem>> -> memref<!tpu.dma_semaphore, #tpu.memory_space<semaphore_mem>>
      %dma_wait3A_140 = arith.constant 0 : i32
      %dma_wait3A_141 = tpu.memref_slice %arg6[%mul3A_132, %dma_wait3A_140] : memref<8192x128xf32, #tpu.memory_space<hbm>> -> memref<128x128xf32, #tpu.memory_space<hbm>>
      %dma_wait3A_142 = arith.constant 0 : i32
      %dma_wait3A_143 = arith.constant 0 : i32
      %dma_wait3A_144 = tpu.memref_slice %run_scoped3A_4[%rem3A_130, %dma_wait3A_142, %dma_wait3A_143] : memref<2x128x128xf32, #tpu.memory_space<vmem>> -> memref<1x128x128xf32, #tpu.memory_space<vmem>>
      %dma_wait3A_145 = tpu.memref_squeeze %dma_wait3A_144 : memref<1x128x128xf32, #tpu.memory_space<vmem>> -> memref<128x128xf32, #tpu.memory_space<vmem>>
      tpu.wait_dma2 semaphore(%dma_wait3A_139 : memref<!tpu.dma_semaphore, #tpu.memory_space<semaphore_mem>>) src(%dma_wait3A_145 : memref<128x128xf32, #tpu.memory_space<vmem>>) dst(%dma_wait3A_141 : memref<128x128xf32, #tpu.memory_space<hbm>>)
      %rem3A_146 = arith.constant 2 : i32
      %rem3A_147 = arith.remui %scan3A_92#7, %rem3A_146 : i32
      %mul3A_148 = arith.constant 128 : i32
      %mul3A_149 = arith.muli %mul3A_148, %add3A_101 : i32
      %dma_wait3A_150 = arith.constant 0 : i32
      %dma_wait3A_151 = arith.constant 0 : i32
      %dma_wait3A_152 = tpu.memref_slice %run_scoped3A_6[%rem3A_147, %dma_wait3A_150, %dma_wait3A_151] : memref<2x128x128xf32, #tpu.memory_space<vmem>> -> memref<1x128x128xf32, #tpu.memory_space<vmem>>
      %dma_wait3A_153 = tpu.memref_squeeze %dma_wait3A_152 : memref<1x128x128xf32, #tpu.memory_space<vmem>> -> memref<128x128xf32, #tpu.memory_space<vmem>>
      %dma_wait3A_154 = arith.constant 0 : i32
      %dma_wait3A_155 = tpu.memref_slice %arg7[%mul3A_149, %dma_wait3A_154] : memref<8192x128xf32, #tpu.memory_space<hbm>> -> memref<128x128xf32, #tpu.memory_space<hbm>>
      %dma_wait3A_156 = tpu.memref_slice %run_scoped3A_7[%rem3A_147] : memref<2x!tpu.dma_semaphore, #tpu.memory_space<semaphore_mem>> -> memref<1x!tpu.dma_semaphore, #tpu.memory_space<semaphore_mem>>
      %dma_wait3A_157 = tpu.memref_squeeze %dma_wait3A_156 : memref<1x!tpu.dma_semaphore, #tpu.memory_space<semaphore_mem>> -> memref<!tpu.dma_semaphore, #tpu.memory_space<semaphore_mem>>
      %dma_wait3A_158 = arith.constant 0 : i32
      %dma_wait3A_159 = tpu.memref_slice %arg7[%mul3A_149, %dma_wait3A_158] : memref<8192x128xf32, #tpu.memory_space<hbm>> -> memref<128x128xf32, #tpu.memory_space<hbm>>
      %dma_wait3A_160 = arith.constant 0 : i32
      %dma_wait3A_161 = arith.constant 0 : i32
      %dma_wait3A_162 = tpu.memref_slice %run_scoped3A_6[%rem3A_147, %dma_wait3A_160, %dma_wait3A_161] : memref<2x128x128xf32, #tpu.memory_space<vmem>> -> memref<1x128x128xf32, #tpu.memory_space<vmem>>
      %dma_wait3A_163 = tpu.memref_squeeze %dma_wait3A_162 : memref<1x128x128xf32, #tpu.memory_space<vmem>> -> memref<128x128xf32, #tpu.memory_space<vmem>>
      tpu.wait_dma2 semaphore(%dma_wait3A_157 : memref<!tpu.dma_semaphore, #tpu.memory_space<semaphore_mem>>) src(%dma_wait3A_163 : memref<128x128xf32, #tpu.memory_space<vmem>>) dst(%dma_wait3A_159 : memref<128x128xf32, #tpu.memory_space<hbm>>)
      "tpu.trace_stop"() : () -> ()
      tpu.yield
    }) : () -> ()
    return
  }
}

module attributes {stable_mosaic.version = 14 : i64} {
  func.func @body(%arg0: i32, %arg1: i32, %arg2: memref<512x64xbf16, #tpu.memory_space<vmem>>, %arg3: memref<2048x64xbf16, #tpu.memory_space<vmem>>, %arg4: memref<2048x64xbf16, #tpu.memory_space<vmem>>, %arg5: memref<512x8xf32, #tpu.memory_space<vmem>>, %arg6: memref<512x8xf32, #tpu.memory_space<vmem>>) attributes {dimension_semantics = [#tpu.dimension_semantics<parallel>, #tpu.dimension_semantics<arbitrary>], iteration_bounds = array<i64: 2, 49>, scalar_prefetch = 0 : i64, scratch_operands = 0 : i64, tpu.core_type = #tpu.core_type<tc>, window_params = [{transform_indices = @transform_0, window_bounds = array<i64: 512, 64>}, {transform_indices = @transform_1, window_bounds = array<i64: 2048, 64>}, {transform_indices = @transform_2, window_bounds = array<i64: 2048, 64>}, {transform_indices = @transform_3, window_bounds = array<i64: 512, 8>}, {transform_indices = @transform_4, window_bounds = array<i64: 512, 8>}]} {
    %lt3A = arith.constant 2 : i32
    %lt3A_0 = arith.cmpi slt, %arg1, %lt3A : i32
    %get3A = arith.constant 0 : index
    %get3A_1 = arith.constant 0 : index
    %get3A_2 = vector.load %arg3[%get3A, %get3A_1] : memref<2048x64xbf16, #tpu.memory_space<vmem>>, vector<2048x64xbf16>
    %get3A_3 = arith.constant 0 : index
    %get3A_4 = arith.constant 0 : index
    %get3A_5 = vector.load %arg4[%get3A_3, %get3A_4] : memref<2048x64xbf16, #tpu.memory_space<vmem>>, vector<2048x64xbf16>
    %select_n3A = arith.select %lt3A_0, %get3A_2, %get3A_5 : vector<2048x64xbf16>
    %get3A_6 = arith.constant 0 : index
    %get3A_7 = arith.constant 0 : index
    %get3A_8 = vector.load %arg2[%get3A_6, %get3A_7] : memref<512x64xbf16, #tpu.memory_space<vmem>>, vector<512x64xbf16>
    %dot_general3A = arith.constant dense<0.000000e+00> : vector<512x2048xf32>
    %dot_general3A_9 = tpu.matmul %get3A_8, %select_n3A, %dot_general3A {dimension_numbers = #tpu.dot_dimension_numbers<[1], [1], [0], [0], [0, 0, 1, 0], [], []>, transpose_lhs_hint = false} : vector<512x64xbf16>, vector<2048x64xbf16>, vector<512x2048xf32> -> vector<512x2048xf32>
    %iota3A = tpu.iota {dimensions = array<i32: 1>} : vector<512x2048xi32>
    %mul3A = arith.constant 2048 : i32
    %mul3A_10 = arith.muli %arg1, %mul3A : i32
    %add3A = vector.broadcast %mul3A_10 : i32 to vector<512x2048xi32>
    %add3A_11 = arith.addi %iota3A, %add3A : vector<512x2048xi32>
    %convert_element_type3A = arith.sitofp %add3A_11 : vector<512x2048xi32> to vector<512x2048xf32>
    %lt3A_12 = arith.constant 1.000000e+05 : f32
    %lt3A_13 = vector.broadcast %lt3A_12 : f32 to vector<512x2048xf32>
    %lt3A_14 = arith.cmpf olt, %convert_element_type3A, %lt3A_13 : vector<512x2048xf32>
    %jit3A = arith.constant -3.000000e+38 : f32
    %broadcast_in_dim3A = vector.broadcast %jit3A : f32 to vector<512x2048xf32>
    %select_n3A_15 = arith.select %lt3A_14, %dot_general3A_9, %broadcast_in_dim3A : vector<512x2048xi1>, vector<512x2048xf32>
    %eq3A = arith.constant 0 : i32
    %eq3A_16 = arith.cmpi eq, %arg1, %eq3A : i32
    %convert_element_type3A_17 = arith.extui %eq3A_16 : i1 to i32
    %cond3A = arith.constant 0 : i32
    %cond3A_18 = arith.cmpi ne, %convert_element_type3A_17, %cond3A : i32
    scf.if %cond3A_18 {
      %broadcast_in_dim3A_202 = arith.constant -3.000000e+38 : f32
      %broadcast_in_dim3A_203 = vector.broadcast %broadcast_in_dim3A_202 : f32 to vector<512x8xf32>
      %swap3A = arith.constant 0 : index
      %swap3A_204 = arith.constant 0 : index
      %swap3A_205 = vector.load %arg5[%swap3A, %swap3A_204] : memref<512x8xf32, #tpu.memory_space<vmem>>, vector<512x8xf32>
      tpu.vector_store %arg5[%swap3A, %swap3A_204], %broadcast_in_dim3A_203 {strides = array<i32>} : memref<512x8xf32, #tpu.memory_space<vmem>>, vector<512x8xf32>,
      %broadcast_in_dim3A_206 = arith.constant 0.000000e+00 : f32
      %broadcast_in_dim3A_207 = vector.broadcast %broadcast_in_dim3A_206 : f32 to vector<512x8xf32>
      %swap3A_208 = arith.constant 0 : index
      %swap3A_209 = arith.constant 0 : index
      %swap3A_210 = vector.load %arg6[%swap3A_208, %swap3A_209] : memref<512x8xf32, #tpu.memory_space<vmem>>, vector<512x8xf32>
      tpu.vector_store %arg6[%swap3A_208, %swap3A_209], %broadcast_in_dim3A_207 {strides = array<i32>} : memref<512x8xf32, #tpu.memory_space<vmem>>, vector<512x8xf32>,
    } else {
    }
    %get3A_19 = arith.constant 0 : index
    %get3A_20 = arith.constant 7 : index
    %get3A_21 = vector.load %arg5[%get3A_19, %get3A_20] : memref<512x8xf32, #tpu.memory_space<vmem>>, vector<512x1xf32>
    %gt3A = vector.broadcast %get3A_21 : vector<512x1xf32> to vector<512x2048xf32>
    %gt3A_22 = arith.cmpf ogt, %select_n3A_15, %gt3A : vector<512x2048xf32>
    %convert_element_type3A_23 = arith.extui %gt3A_22 : vector<512x2048xi1> to vector<512x2048xi32>
    %reduce_sum3A = arith.constant dense<0> : vector<512xi32>
    %reduce_sum3A_24 = vector.multi_reduction <add>, %convert_element_type3A_23, %reduce_sum3A [1] : vector<512x2048xi32> to vector<512xi32>
    %broadcast_in_dim3A_25 = vector.shape_cast %reduce_sum3A_24 : vector<512xi32> to vector<512x1xi32>
    %slice3A = vector.extract_strided_slice %select_n3A_15 {offsets = [0, 0], sizes = [512, 1024], strides = [1, 1]} : vector<512x2048xf32> to vector<512x1024xf32>
    %slice3A_26 = vector.extract_strided_slice %select_n3A_15 {offsets = [0, 1024], sizes = [512, 1024], strides = [1, 1]} : vector<512x2048xf32> to vector<512x1024xf32>
    %slice3A_27 = vector.extract_strided_slice %convert_element_type3A {offsets = [0, 0], sizes = [512, 1024], strides = [1, 1]} : vector<512x2048xf32> to vector<512x1024xf32>
    %slice3A_28 = vector.extract_strided_slice %convert_element_type3A {offsets = [0, 1024], sizes = [512, 1024], strides = [1, 1]} : vector<512x2048xf32> to vector<512x1024xf32>
    %gt3A_29 = arith.cmpf ogt, %slice3A_26, %slice3A : vector<512x1024xf32>
    %select_n3A_30 = arith.select %gt3A_29, %slice3A_26, %slice3A : vector<512x1024xi1>, vector<512x1024xf32>
    %select_n3A_31 = arith.select %gt3A_29, %slice3A_28, %slice3A_27 : vector<512x1024xi1>, vector<512x1024xf32>
    %slice3A_32 = vector.extract_strided_slice %select_n3A_30 {offsets = [0, 0], sizes = [512, 512], strides = [1, 1]} : vector<512x1024xf32> to vector<512x512xf32>
    %slice3A_33 = vector.extract_strided_slice %select_n3A_30 {offsets = [0, 512], sizes = [512, 512], strides = [1, 1]} : vector<512x1024xf32> to vector<512x512xf32>
    %slice3A_34 = vector.extract_strided_slice %select_n3A_31 {offsets = [0, 0], sizes = [512, 512], strides = [1, 1]} : vector<512x1024xf32> to vector<512x512xf32>
    %slice3A_35 = vector.extract_strided_slice %select_n3A_31 {offsets = [0, 512], sizes = [512, 512], strides = [1, 1]} : vector<512x1024xf32> to vector<512x512xf32>
    %gt3A_36 = arith.cmpf ogt, %slice3A_33, %slice3A_32 : vector<512x512xf32>
    %select_n3A_37 = arith.select %gt3A_36, %slice3A_33, %slice3A_32 : vector<512x512xi1>, vector<512x512xf32>
    %select_n3A_38 = arith.select %gt3A_36, %slice3A_35, %slice3A_34 : vector<512x512xi1>, vector<512x512xf32>
    %slice3A_39 = vector.extract_strided_slice %select_n3A_37 {offsets = [0, 0], sizes = [512, 256], strides = [1, 1]} : vector<512x512xf32> to vector<512x256xf32>
    %slice3A_40 = vector.extract_strided_slice %select_n3A_37 {offsets = [0, 256], sizes = [512, 256], strides = [1, 1]} : vector<512x512xf32> to vector<512x256xf32>
    %slice3A_41 = vector.extract_strided_slice %select_n3A_38 {offsets = [0, 0], sizes = [512, 256], strides = [1, 1]} : vector<512x512xf32> to vector<512x256xf32>
    %slice3A_42 = vector.extract_strided_slice %select_n3A_38 {offsets = [0, 256], sizes = [512, 256], strides = [1, 1]} : vector<512x512xf32> to vector<512x256xf32>
    %gt3A_43 = arith.cmpf ogt, %slice3A_40, %slice3A_39 : vector<512x256xf32>
    %select_n3A_44 = arith.select %gt3A_43, %slice3A_40, %slice3A_39 : vector<512x256xi1>, vector<512x256xf32>
    %select_n3A_45 = arith.select %gt3A_43, %slice3A_42, %slice3A_41 : vector<512x256xi1>, vector<512x256xf32>
    %slice3A_46 = vector.extract_strided_slice %select_n3A_44 {offsets = [0, 0], sizes = [512, 128], strides = [1, 1]} : vector<512x256xf32> to vector<512x128xf32>
    %slice3A_47 = vector.extract_strided_slice %select_n3A_44 {offsets = [0, 128], sizes = [512, 128], strides = [1, 1]} : vector<512x256xf32> to vector<512x128xf32>
    %slice3A_48 = vector.extract_strided_slice %select_n3A_45 {offsets = [0, 0], sizes = [512, 128], strides = [1, 1]} : vector<512x256xf32> to vector<512x128xf32>
    %slice3A_49 = vector.extract_strided_slice %select_n3A_45 {offsets = [0, 128], sizes = [512, 128], strides = [1, 1]} : vector<512x256xf32> to vector<512x128xf32>
    %gt3A_50 = arith.cmpf ogt, %slice3A_47, %slice3A_46 : vector<512x128xf32>
    %select_n3A_51 = arith.select %gt3A_50, %slice3A_47, %slice3A_46 : vector<512x128xi1>, vector<512x128xf32>
    %select_n3A_52 = arith.select %gt3A_50, %slice3A_49, %slice3A_48 : vector<512x128xi1>, vector<512x128xf32>
    %reduce_max3A = arith.constant dense<0xFF800000> : vector<512xf32>
    %reduce_max3A_53 = vector.multi_reduction <maximumf>, %select_n3A_51, %reduce_max3A [1] : vector<512x128xf32> to vector<512xf32>
    %broadcast_in_dim3A_54 = vector.shape_cast %reduce_max3A_53 : vector<512xf32> to vector<512x1xf32>
    %eq3A_55 = vector.broadcast %broadcast_in_dim3A_54 : vector<512x1xf32> to vector<512x128xf32>
    %eq3A_56 = arith.cmpf oeq, %select_n3A_51, %eq3A_55 : vector<512x128xf32>
    %jit3A_57 = arith.constant 3.000000e+38 : f32
    %broadcast_in_dim3A_58 = vector.broadcast %jit3A_57 : f32 to vector<512x128xf32>
    %select_n3A_59 = arith.select %eq3A_56, %select_n3A_52, %broadcast_in_dim3A_58 : vector<512x128xi1>, vector<512x128xf32>
    %reduce_min3A = arith.constant dense<0x7F800000> : vector<512xf32>
    %reduce_min3A_60 = vector.multi_reduction <minimumf>, %select_n3A_59, %reduce_min3A [1] : vector<512x128xf32> to vector<512xf32>
    %broadcast_in_dim3A_61 = vector.shape_cast %reduce_min3A_60 : vector<512xf32> to vector<512x1xf32>
    %eq3A_62 = vector.broadcast %broadcast_in_dim3A_61 : vector<512x1xf32> to vector<512x128xf32>
    %eq3A_63 = arith.cmpf oeq, %select_n3A_52, %eq3A_62 : vector<512x128xf32>
    %jit3A_64 = arith.constant -3.000000e+38 : f32
    %broadcast_in_dim3A_65 = vector.broadcast %jit3A_64 : f32 to vector<512x128xf32>
    %select_n3A_66 = arith.select %eq3A_63, %broadcast_in_dim3A_65, %select_n3A_51 : vector<512x128xi1>, vector<512x128xf32>
    %reduce_max3A_67 = arith.constant dense<0xFF800000> : vector<512xf32>
    %reduce_max3A_68 = vector.multi_reduction <maximumf>, %select_n3A_66, %reduce_max3A_67 [1] : vector<512x128xf32> to vector<512xf32>
    %broadcast_in_dim3A_69 = vector.shape_cast %reduce_max3A_68 : vector<512xf32> to vector<512x1xf32>
    %eq3A_70 = vector.broadcast %broadcast_in_dim3A_69 : vector<512x1xf32> to vector<512x128xf32>
    %eq3A_71 = arith.cmpf oeq, %select_n3A_66, %eq3A_70 : vector<512x128xf32>
    %jit3A_72 = arith.constant 3.000000e+38 : f32
    %broadcast_in_dim3A_73 = vector.broadcast %jit3A_72 : f32 to vector<512x128xf32>
    %select_n3A_74 = arith.select %eq3A_71, %select_n3A_52, %broadcast_in_dim3A_73 : vector<512x128xi1>, vector<512x128xf32>
    %reduce_min3A_75 = arith.constant dense<0x7F800000> : vector<512xf32>
    %reduce_min3A_76 = vector.multi_reduction <minimumf>, %select_n3A_74, %reduce_min3A_75 [1] : vector<512x128xf32> to vector<512xf32>
    %broadcast_in_dim3A_77 = vector.shape_cast %reduce_min3A_76 : vector<512xf32> to vector<512x1xf32>
    %eq3A_78 = vector.broadcast %broadcast_in_dim3A_77 : vector<512x1xf32> to vector<512x128xf32>
    %eq3A_79 = arith.cmpf oeq, %select_n3A_52, %eq3A_78 : vector<512x128xf32>
    %jit3A_80 = arith.constant -3.000000e+38 : f32
    %broadcast_in_dim3A_81 = vector.broadcast %jit3A_80 : f32 to vector<512x128xf32>
    %select_n3A_82 = arith.select %eq3A_79, %broadcast_in_dim3A_81, %select_n3A_66 : vector<512x128xi1>, vector<512x128xf32>
    %reduce_max3A_83 = arith.constant dense<0xFF800000> : vector<512xf32>
    %reduce_max3A_84 = vector.multi_reduction <maximumf>, %select_n3A_82, %reduce_max3A_83 [1] : vector<512x128xf32> to vector<512xf32>
    %broadcast_in_dim3A_85 = vector.shape_cast %reduce_max3A_84 : vector<512xf32> to vector<512x1xf32>
    %eq3A_86 = vector.broadcast %broadcast_in_dim3A_85 : vector<512x1xf32> to vector<512x128xf32>
    %eq3A_87 = arith.cmpf oeq, %select_n3A_82, %eq3A_86 : vector<512x128xf32>
    %jit3A_88 = arith.constant 3.000000e+38 : f32
    %broadcast_in_dim3A_89 = vector.broadcast %jit3A_88 : f32 to vector<512x128xf32>
    %select_n3A_90 = arith.select %eq3A_87, %select_n3A_52, %broadcast_in_dim3A_89 : vector<512x128xi1>, vector<512x128xf32>
    %reduce_min3A_91 = arith.constant dense<0x7F800000> : vector<512xf32>
    %reduce_min3A_92 = vector.multi_reduction <minimumf>, %select_n3A_90, %reduce_min3A_91 [1] : vector<512x128xf32> to vector<512xf32>
    %broadcast_in_dim3A_93 = vector.shape_cast %reduce_min3A_92 : vector<512xf32> to vector<512x1xf32>
    %eq3A_94 = vector.broadcast %broadcast_in_dim3A_93 : vector<512x1xf32> to vector<512x128xf32>
    %eq3A_95 = arith.cmpf oeq, %select_n3A_52, %eq3A_94 : vector<512x128xf32>
    %jit3A_96 = arith.constant -3.000000e+38 : f32
    %broadcast_in_dim3A_97 = vector.broadcast %jit3A_96 : f32 to vector<512x128xf32>
    %select_n3A_98 = arith.select %eq3A_95, %broadcast_in_dim3A_97, %select_n3A_82 : vector<512x128xi1>, vector<512x128xf32>
    %reduce_max3A_99 = arith.constant dense<0xFF800000> : vector<512xf32>
    %reduce_max3A_100 = vector.multi_reduction <maximumf>, %select_n3A_98, %reduce_max3A_99 [1] : vector<512x128xf32> to vector<512xf32>
    %broadcast_in_dim3A_101 = vector.shape_cast %reduce_max3A_100 : vector<512xf32> to vector<512x1xf32>
    %eq3A_102 = vector.broadcast %broadcast_in_dim3A_101 : vector<512x1xf32> to vector<512x128xf32>
    %eq3A_103 = arith.cmpf oeq, %select_n3A_98, %eq3A_102 : vector<512x128xf32>
    %jit3A_104 = arith.constant 3.000000e+38 : f32
    %broadcast_in_dim3A_105 = vector.broadcast %jit3A_104 : f32 to vector<512x128xf32>
    %select_n3A_106 = arith.select %eq3A_103, %select_n3A_52, %broadcast_in_dim3A_105 : vector<512x128xi1>, vector<512x128xf32>
    %reduce_min3A_107 = arith.constant dense<0x7F800000> : vector<512xf32>
    %reduce_min3A_108 = vector.multi_reduction <minimumf>, %select_n3A_106, %reduce_min3A_107 [1] : vector<512x128xf32> to vector<512xf32>
    %broadcast_in_dim3A_109 = vector.shape_cast %reduce_min3A_108 : vector<512xf32> to vector<512x1xf32>
    %eq3A_110 = vector.broadcast %broadcast_in_dim3A_109 : vector<512x1xf32> to vector<512x128xf32>
    %eq3A_111 = arith.cmpf oeq, %select_n3A_52, %eq3A_110 : vector<512x128xf32>
    %jit3A_112 = arith.constant -3.000000e+38 : f32
    %broadcast_in_dim3A_113 = vector.broadcast %jit3A_112 : f32 to vector<512x128xf32>
    %select_n3A_114 = arith.select %eq3A_111, %broadcast_in_dim3A_113, %select_n3A_98 : vector<512x128xi1>, vector<512x128xf32>
    %reduce_max3A_115 = arith.constant dense<0xFF800000> : vector<512xf32>
    %reduce_max3A_116 = vector.multi_reduction <maximumf>, %select_n3A_114, %reduce_max3A_115 [1] : vector<512x128xf32> to vector<512xf32>
    %broadcast_in_dim3A_117 = vector.shape_cast %reduce_max3A_116 : vector<512xf32> to vector<512x1xf32>
    %eq3A_118 = vector.broadcast %broadcast_in_dim3A_117 : vector<512x1xf32> to vector<512x128xf32>
    %eq3A_119 = arith.cmpf oeq, %select_n3A_114, %eq3A_118 : vector<512x128xf32>
    %jit3A_120 = arith.constant 3.000000e+38 : f32
    %broadcast_in_dim3A_121 = vector.broadcast %jit3A_120 : f32 to vector<512x128xf32>
    %select_n3A_122 = arith.select %eq3A_119, %select_n3A_52, %broadcast_in_dim3A_121 : vector<512x128xi1>, vector<512x128xf32>
    %reduce_min3A_123 = arith.constant dense<0x7F800000> : vector<512xf32>
    %reduce_min3A_124 = vector.multi_reduction <minimumf>, %select_n3A_122, %reduce_min3A_123 [1] : vector<512x128xf32> to vector<512xf32>
    %broadcast_in_dim3A_125 = vector.shape_cast %reduce_min3A_124 : vector<512xf32> to vector<512x1xf32>
    %eq3A_126 = vector.broadcast %broadcast_in_dim3A_125 : vector<512x1xf32> to vector<512x128xf32>
    %eq3A_127 = arith.cmpf oeq, %select_n3A_52, %eq3A_126 : vector<512x128xf32>
    %jit3A_128 = arith.constant -3.000000e+38 : f32
    %broadcast_in_dim3A_129 = vector.broadcast %jit3A_128 : f32 to vector<512x128xf32>
    %select_n3A_130 = arith.select %eq3A_127, %broadcast_in_dim3A_129, %select_n3A_114 : vector<512x128xi1>, vector<512x128xf32>
    %reduce_max3A_131 = arith.constant dense<0xFF800000> : vector<512xf32>
    %reduce_max3A_132 = vector.multi_reduction <maximumf>, %select_n3A_130, %reduce_max3A_131 [1] : vector<512x128xf32> to vector<512xf32>
    %broadcast_in_dim3A_133 = vector.shape_cast %reduce_max3A_132 : vector<512xf32> to vector<512x1xf32>
    %eq3A_134 = vector.broadcast %broadcast_in_dim3A_133 : vector<512x1xf32> to vector<512x128xf32>
    %eq3A_135 = arith.cmpf oeq, %select_n3A_130, %eq3A_134 : vector<512x128xf32>
    %jit3A_136 = arith.constant 3.000000e+38 : f32
    %broadcast_in_dim3A_137 = vector.broadcast %jit3A_136 : f32 to vector<512x128xf32>
    %select_n3A_138 = arith.select %eq3A_135, %select_n3A_52, %broadcast_in_dim3A_137 : vector<512x128xi1>, vector<512x128xf32>
    %reduce_min3A_139 = arith.constant dense<0x7F800000> : vector<512xf32>
    %reduce_min3A_140 = vector.multi_reduction <minimumf>, %select_n3A_138, %reduce_min3A_139 [1] : vector<512x128xf32> to vector<512xf32>
    %broadcast_in_dim3A_141 = vector.shape_cast %reduce_min3A_140 : vector<512xf32> to vector<512x1xf32>
    %eq3A_142 = vector.broadcast %broadcast_in_dim3A_141 : vector<512x1xf32> to vector<512x128xf32>
    %eq3A_143 = arith.cmpf oeq, %select_n3A_52, %eq3A_142 : vector<512x128xf32>
    %jit3A_144 = arith.constant -3.000000e+38 : f32
    %broadcast_in_dim3A_145 = vector.broadcast %jit3A_144 : f32 to vector<512x128xf32>
    %select_n3A_146 = arith.select %eq3A_143, %broadcast_in_dim3A_145, %select_n3A_130 : vector<512x128xi1>, vector<512x128xf32>
    %reduce_max3A_147 = arith.constant dense<0xFF800000> : vector<512xf32>
    %reduce_max3A_148 = vector.multi_reduction <maximumf>, %select_n3A_146, %reduce_max3A_147 [1] : vector<512x128xf32> to vector<512xf32>
    %broadcast_in_dim3A_149 = vector.shape_cast %reduce_max3A_148 : vector<512xf32> to vector<512x1xf32>
    %eq3A_150 = vector.broadcast %broadcast_in_dim3A_149 : vector<512x1xf32> to vector<512x128xf32>
    %eq3A_151 = arith.cmpf oeq, %select_n3A_146, %eq3A_150 : vector<512x128xf32>
    %jit3A_152 = arith.constant 3.000000e+38 : f32
    %broadcast_in_dim3A_153 = vector.broadcast %jit3A_152 : f32 to vector<512x128xf32>
    %select_n3A_154 = arith.select %eq3A_151, %select_n3A_52, %broadcast_in_dim3A_153 : vector<512x128xi1>, vector<512x128xf32>
    %reduce_min3A_155 = arith.constant dense<0x7F800000> : vector<512xf32>
    %reduce_min3A_156 = vector.multi_reduction <minimumf>, %select_n3A_154, %reduce_min3A_155 [1] : vector<512x128xf32> to vector<512xf32>
    %broadcast_in_dim3A_157 = vector.shape_cast %reduce_min3A_156 : vector<512xf32> to vector<512x1xf32>
    %eq3A_158 = vector.broadcast %broadcast_in_dim3A_157 : vector<512x1xf32> to vector<512x128xf32>
    %eq3A_159 = arith.cmpf oeq, %select_n3A_52, %eq3A_158 : vector<512x128xf32>
    %jit3A_160 = arith.constant -3.000000e+38 : f32
    %broadcast_in_dim3A_161 = vector.broadcast %jit3A_160 : f32 to vector<512x128xf32>
    %select_n3A_162 = arith.select %eq3A_159, %broadcast_in_dim3A_161, %select_n3A_146 : vector<512x128xi1>, vector<512x128xf32>
    %reduce_max3A_163 = arith.constant dense<0xFF800000> : vector<512xf32>
    %reduce_max3A_164 = vector.multi_reduction <maximumf>, %select_n3A_162, %reduce_max3A_163 [1] : vector<512x128xf32> to vector<512xf32>
    %broadcast_in_dim3A_165 = vector.shape_cast %reduce_max3A_164 : vector<512xf32> to vector<512x1xf32>
    %eq3A_166 = vector.broadcast %broadcast_in_dim3A_165 : vector<512x1xf32> to vector<512x128xf32>
    %eq3A_167 = arith.cmpf oeq, %select_n3A_162, %eq3A_166 : vector<512x128xf32>
    %jit3A_168 = arith.constant 3.000000e+38 : f32
    %broadcast_in_dim3A_169 = vector.broadcast %jit3A_168 : f32 to vector<512x128xf32>
    %select_n3A_170 = arith.select %eq3A_167, %select_n3A_52, %broadcast_in_dim3A_169 : vector<512x128xi1>, vector<512x128xf32>
    %reduce_min3A_171 = arith.constant dense<0x7F800000> : vector<512xf32>
    %reduce_min3A_172 = vector.multi_reduction <minimumf>, %select_n3A_170, %reduce_min3A_171 [1] : vector<512x128xf32> to vector<512xf32>
    %broadcast_in_dim3A_173 = vector.shape_cast %reduce_min3A_172 : vector<512xf32> to vector<512x1xf32>
    %concatenate3A = tpu.concatenate %broadcast_in_dim3A_54, %broadcast_in_dim3A_69, %broadcast_in_dim3A_85, %broadcast_in_dim3A_101, %broadcast_in_dim3A_117, %broadcast_in_dim3A_133, %broadcast_in_dim3A_149, %broadcast_in_dim3A_165 in 1 : vector<512x1xf32>, vector<512x1xf32>, vector<512x1xf32>, vector<512x1xf32>, vector<512x1xf32>, vector<512x1xf32>, vector<512x1xf32>, vector<512x1xf32> -> vector<512x8xf32>
    %concatenate3A_174 = tpu.concatenate %broadcast_in_dim3A_61, %broadcast_in_dim3A_77, %broadcast_in_dim3A_93, %broadcast_in_dim3A_109, %broadcast_in_dim3A_125, %broadcast_in_dim3A_141, %broadcast_in_dim3A_157, %broadcast_in_dim3A_173 in 1 : vector<512x1xf32>, vector<512x1xf32>, vector<512x1xf32>, vector<512x1xf32>, vector<512x1xf32>, vector<512x1xf32>, vector<512x1xf32>, vector<512x1xf32> -> vector<512x8xf32>
    %gt3A_175 = vector.broadcast %get3A_21 : vector<512x1xf32> to vector<512x8xf32>
    %gt3A_176 = arith.cmpf ogt, %concatenate3A, %gt3A_175 : vector<512x8xf32>
    %convert_element_type3A_177 = arith.extui %gt3A_176 : vector<512x8xi1> to vector<512x8xi32>
    %reduce_sum3A_178 = arith.constant dense<0> : vector<512xi32>
    %reduce_sum3A_179 = vector.multi_reduction <add>, %convert_element_type3A_177, %reduce_sum3A_178 [1] : vector<512x8xi32> to vector<512xi32>
    %broadcast_in_dim3A_180 = vector.shape_cast %reduce_sum3A_179 : vector<512xi32> to vector<512x1xi32>
    %le3A = arith.constant 8 : i32
    %le3A_181 = vector.broadcast %le3A : i32 to vector<512x1xi32>
    %le3A_182 = arith.cmpi sle, %broadcast_in_dim3A_25, %le3A_181 : vector<512x1xi32>
    %eq3A_183 = arith.cmpi eq, %broadcast_in_dim3A_180, %broadcast_in_dim3A_25 : vector<512x1xi32>
    %and3A = arith.andi %le3A_182, %eq3A_183 : vector<512x1xi1>
    %reduce_and3A = arith.constant 1.000000e+00 : f32
    %reduce_and3A_184 = arith.constant 0.000000e+00 : f32
    %reduce_and3A_185 = vector.broadcast %reduce_and3A : f32 to vector<512x1xf32>
    %reduce_and3A_186 = vector.broadcast %reduce_and3A_184 : f32 to vector<512x1xf32>
    %reduce_and3A_187 = arith.select %and3A, %reduce_and3A_185, %reduce_and3A_186 : vector<512x1xi1>, vector<512x1xf32>
    %reduce_and3A_188 = vector.shape_cast %reduce_and3A_187 : vector<512x1xf32> to vector<1x512x1xf32>
    %reduce_and3A_189 = arith.constant dense<0x7F800000> : vector<1xf32>
    %reduce_and3A_190 = vector.multi_reduction <minimumf>, %reduce_and3A_188, %reduce_and3A_189 [1, 2] : vector<1x512x1xf32> to vector<1xf32>
    %reduce_and3A_191 = vector.shape_cast %reduce_and3A_190 : vector<1xf32> to vector<1x1x1xf32>
    %reduce_and3A_192 = vector.extract %reduce_and3A_191[0, 0, 0] : f32 from vector<1x1x1xf32>
    %reduce_and3A_193 = arith.constant 0.000000e+00 : f32
    %reduce_and3A_194 = arith.cmpf ogt, %reduce_and3A_192, %reduce_and3A_193 : f32
    %convert_element_type3A_195 = arith.extui %reduce_and3A_194 : i1 to i32
    %cond3A_196 = arith.constant 0 : i32
    %cond3A_197 = arith.cmpi ne, %convert_element_type3A_195, %cond3A_196 : i32
    scf.if %cond3A_197 {
      %get3A_202 = arith.constant 0 : index
      %get3A_203 = arith.constant 0 : index
      %get3A_204 = vector.load %arg5[%get3A_202, %get3A_203] : memref<512x8xf32, #tpu.memory_space<vmem>>, vector<512x8xf32>
      %concatenate3A_205 = tpu.concatenate %get3A_204, %concatenate3A in 1 : vector<512x8xf32>, vector<512x8xf32> -> vector<512x16xf32>
      %get3A_206 = arith.constant 0 : index
      %get3A_207 = arith.constant 0 : index
      %get3A_208 = vector.load %arg6[%get3A_206, %get3A_207] : memref<512x8xf32, #tpu.memory_space<vmem>>, vector<512x8xf32>
      %concatenate3A_209 = tpu.concatenate %get3A_208, %concatenate3A_174 in 1 : vector<512x8xf32>, vector<512x8xf32> -> vector<512x16xf32>
      %reduce_max3A_210 = arith.constant dense<0xFF800000> : vector<512xf32>
      %reduce_max3A_211 = vector.multi_reduction <maximumf>, %concatenate3A_205, %reduce_max3A_210 [1] : vector<512x16xf32> to vector<512xf32>
      %broadcast_in_dim3A_212 = vector.shape_cast %reduce_max3A_211 : vector<512xf32> to vector<512x1xf32>
      %eq3A_213 = vector.broadcast %broadcast_in_dim3A_212 : vector<512x1xf32> to vector<512x16xf32>
      %eq3A_214 = arith.cmpf oeq, %concatenate3A_205, %eq3A_213 : vector<512x16xf32>
      %jit3A_215 = arith.constant 3.000000e+38 : f32
      %broadcast_in_dim3A_216 = vector.broadcast %jit3A_215 : f32 to vector<512x16xf32>
      %select_n3A_217 = arith.select %eq3A_214, %concatenate3A_209, %broadcast_in_dim3A_216 : vector<512x16xi1>, vector<512x16xf32>
      %reduce_min3A_218 = arith.constant dense<0x7F800000> : vector<512xf32>
      %reduce_min3A_219 = vector.multi_reduction <minimumf>, %select_n3A_217, %reduce_min3A_218 [1] : vector<512x16xf32> to vector<512xf32>
      %broadcast_in_dim3A_220 = vector.shape_cast %reduce_min3A_219 : vector<512xf32> to vector<512x1xf32>
      %eq3A_221 = vector.broadcast %broadcast_in_dim3A_220 : vector<512x1xf32> to vector<512x16xf32>
      %eq3A_222 = arith.cmpf oeq, %concatenate3A_209, %eq3A_221 : vector<512x16xf32>
      %jit3A_223 = arith.constant -3.000000e+38 : f32
      %broadcast_in_dim3A_224 = vector.broadcast %jit3A_223 : f32 to vector<512x16xf32>
      %select_n3A_225 = arith.select %eq3A_222, %broadcast_in_dim3A_224, %concatenate3A_205 : vector<512x16xi1>, vector<512x16xf32>
      %reduce_max3A_226 = arith.constant dense<0xFF800000> : vector<512xf32>
      %reduce_max3A_227 = vector.multi_reduction <maximumf>, %select_n3A_225, %reduce_max3A_226 [1] : vector<512x16xf32> to vector<512xf32>
      %broadcast_in_dim3A_228 = vector.shape_cast %reduce_max3A_227 : vector<512xf32> to vector<512x1xf32>
      %eq3A_229 = vector.broadcast %broadcast_in_dim3A_228 : vector<512x1xf32> to vector<512x16xf32>
      %eq3A_230 = arith.cmpf oeq, %select_n3A_225, %eq3A_229 : vector<512x16xf32>
      %jit3A_231 = arith.constant 3.000000e+38 : f32
      %broadcast_in_dim3A_232 = vector.broadcast %jit3A_231 : f32 to vector<512x16xf32>
      %select_n3A_233 = arith.select %eq3A_230, %concatenate3A_209, %broadcast_in_dim3A_232 : vector<512x16xi1>, vector<512x16xf32>
      %reduce_min3A_234 = arith.constant dense<0x7F800000> : vector<512xf32>
      %reduce_min3A_235 = vector.multi_reduction <minimumf>, %select_n3A_233, %reduce_min3A_234 [1] : vector<512x16xf32> to vector<512xf32>
      %broadcast_in_dim3A_236 = vector.shape_cast %reduce_min3A_235 : vector<512xf32> to vector<512x1xf32>
      %eq3A_237 = vector.broadcast %broadcast_in_dim3A_236 : vector<512x1xf32> to vector<512x16xf32>
      %eq3A_238 = arith.cmpf oeq, %concatenate3A_209, %eq3A_237 : vector<512x16xf32>
      %jit3A_239 = arith.constant -3.000000e+38 : f32
      %broadcast_in_dim3A_240 = vector.broadcast %jit3A_239 : f32 to vector<512x16xf32>
      %select_n3A_241 = arith.select %eq3A_238, %broadcast_in_dim3A_240, %select_n3A_225 : vector<512x16xi1>, vector<512x16xf32>
      %reduce_max3A_242 = arith.constant dense<0xFF800000> : vector<512xf32>
      %reduce_max3A_243 = vector.multi_reduction <maximumf>, %select_n3A_241, %reduce_max3A_242 [1] : vector<512x16xf32> to vector<512xf32>
      %broadcast_in_dim3A_244 = vector.shape_cast %reduce_max3A_243 : vector<512xf32> to vector<512x1xf32>
      %eq3A_245 = vector.broadcast %broadcast_in_dim3A_244 : vector<512x1xf32> to vector<512x16xf32>
      %eq3A_246 = arith.cmpf oeq, %select_n3A_241, %eq3A_245 : vector<512x16xf32>
      %jit3A_247 = arith.constant 3.000000e+38 : f32
      %broadcast_in_dim3A_248 = vector.broadcast %jit3A_247 : f32 to vector<512x16xf32>
      %select_n3A_249 = arith.select %eq3A_246, %concatenate3A_209, %broadcast_in_dim3A_248 : vector<512x16xi1>, vector<512x16xf32>
      %reduce_min3A_250 = arith.constant dense<0x7F800000> : vector<512xf32>
      %reduce_min3A_251 = vector.multi_reduction <minimumf>, %select_n3A_249, %reduce_min3A_250 [1] : vector<512x16xf32> to vector<512xf32>
      %broadcast_in_dim3A_252 = vector.shape_cast %reduce_min3A_251 : vector<512xf32> to vector<512x1xf32>
      %eq3A_253 = vector.broadcast %broadcast_in_dim3A_252 : vector<512x1xf32> to vector<512x16xf32>
      %eq3A_254 = arith.cmpf oeq, %concatenate3A_209, %eq3A_253 : vector<512x16xf32>
      %jit3A_255 = arith.constant -3.000000e+38 : f32
      %broadcast_in_dim3A_256 = vector.broadcast %jit3A_255 : f32 to vector<512x16xf32>
      %select_n3A_257 = arith.select %eq3A_254, %broadcast_in_dim3A_256, %select_n3A_241 : vector<512x16xi1>, vector<512x16xf32>
      %reduce_max3A_258 = arith.constant dense<0xFF800000> : vector<512xf32>
      %reduce_max3A_259 = vector.multi_reduction <maximumf>, %select_n3A_257, %reduce_max3A_258 [1] : vector<512x16xf32> to vector<512xf32>
      %broadcast_in_dim3A_260 = vector.shape_cast %reduce_max3A_259 : vector<512xf32> to vector<512x1xf32>
      %eq3A_261 = vector.broadcast %broadcast_in_dim3A_260 : vector<512x1xf32> to vector<512x16xf32>
      %eq3A_262 = arith.cmpf oeq, %select_n3A_257, %eq3A_261 : vector<512x16xf32>
      %jit3A_263 = arith.constant 3.000000e+38 : f32
      %broadcast_in_dim3A_264 = vector.broadcast %jit3A_263 : f32 to vector<512x16xf32>
      %select_n3A_265 = arith.select %eq3A_262, %concatenate3A_209, %broadcast_in_dim3A_264 : vector<512x16xi1>, vector<512x16xf32>
      %reduce_min3A_266 = arith.constant dense<0x7F800000> : vector<512xf32>
      %reduce_min3A_267 = vector.multi_reduction <minimumf>, %select_n3A_265, %reduce_min3A_266 [1] : vector<512x16xf32> to vector<512xf32>
      %broadcast_in_dim3A_268 = vector.shape_cast %reduce_min3A_267 : vector<512xf32> to vector<512x1xf32>
      %eq3A_269 = vector.broadcast %broadcast_in_dim3A_268 : vector<512x1xf32> to vector<512x16xf32>
      %eq3A_270 = arith.cmpf oeq, %concatenate3A_209, %eq3A_269 : vector<512x16xf32>
      %jit3A_271 = arith.constant -3.000000e+38 : f32
      %broadcast_in_dim3A_272 = vector.broadcast %jit3A_271 : f32 to vector<512x16xf32>
      %select_n3A_273 = arith.select %eq3A_270, %broadcast_in_dim3A_272, %select_n3A_257 : vector<512x16xi1>, vector<512x16xf32>
      %reduce_max3A_274 = arith.constant dense<0xFF800000> : vector<512xf32>
      %reduce_max3A_275 = vector.multi_reduction <maximumf>, %select_n3A_273, %reduce_max3A_274 [1] : vector<512x16xf32> to vector<512xf32>
      %broadcast_in_dim3A_276 = vector.shape_cast %reduce_max3A_275 : vector<512xf32> to vector<512x1xf32>
      %eq3A_277 = vector.broadcast %broadcast_in_dim3A_276 : vector<512x1xf32> to vector<512x16xf32>
      %eq3A_278 = arith.cmpf oeq, %select_n3A_273, %eq3A_277 : vector<512x16xf32>
      %jit3A_279 = arith.constant 3.000000e+38 : f32
      %broadcast_in_dim3A_280 = vector.broadcast %jit3A_279 : f32 to vector<512x16xf32>
      %select_n3A_281 = arith.select %eq3A_278, %concatenate3A_209, %broadcast_in_dim3A_280 : vector<512x16xi1>, vector<512x16xf32>
      %reduce_min3A_282 = arith.constant dense<0x7F800000> : vector<512xf32>
      %reduce_min3A_283 = vector.multi_reduction <minimumf>, %select_n3A_281, %reduce_min3A_282 [1] : vector<512x16xf32> to vector<512xf32>
      %broadcast_in_dim3A_284 = vector.shape_cast %reduce_min3A_283 : vector<512xf32> to vector<512x1xf32>
      %eq3A_285 = vector.broadcast %broadcast_in_dim3A_284 : vector<512x1xf32> to vector<512x16xf32>
      %eq3A_286 = arith.cmpf oeq, %concatenate3A_209, %eq3A_285 : vector<512x16xf32>
      %jit3A_287 = arith.constant -3.000000e+38 : f32
      %broadcast_in_dim3A_288 = vector.broadcast %jit3A_287 : f32 to vector<512x16xf32>
      %select_n3A_289 = arith.select %eq3A_286, %broadcast_in_dim3A_288, %select_n3A_273 : vector<512x16xi1>, vector<512x16xf32>
      %reduce_max3A_290 = arith.constant dense<0xFF800000> : vector<512xf32>
      %reduce_max3A_291 = vector.multi_reduction <maximumf>, %select_n3A_289, %reduce_max3A_290 [1] : vector<512x16xf32> to vector<512xf32>
      %broadcast_in_dim3A_292 = vector.shape_cast %reduce_max3A_291 : vector<512xf32> to vector<512x1xf32>
      %eq3A_293 = vector.broadcast %broadcast_in_dim3A_292 : vector<512x1xf32> to vector<512x16xf32>
      %eq3A_294 = arith.cmpf oeq, %select_n3A_289, %eq3A_293 : vector<512x16xf32>
      %jit3A_295 = arith.constant 3.000000e+38 : f32
      %broadcast_in_dim3A_296 = vector.broadcast %jit3A_295 : f32 to vector<512x16xf32>
      %select_n3A_297 = arith.select %eq3A_294, %concatenate3A_209, %broadcast_in_dim3A_296 : vector<512x16xi1>, vector<512x16xf32>
      %reduce_min3A_298 = arith.constant dense<0x7F800000> : vector<512xf32>
      %reduce_min3A_299 = vector.multi_reduction <minimumf>, %select_n3A_297, %reduce_min3A_298 [1] : vector<512x16xf32> to vector<512xf32>
      %broadcast_in_dim3A_300 = vector.shape_cast %reduce_min3A_299 : vector<512xf32> to vector<512x1xf32>
      %eq3A_301 = vector.broadcast %broadcast_in_dim3A_300 : vector<512x1xf32> to vector<512x16xf32>
      %eq3A_302 = arith.cmpf oeq, %concatenate3A_209, %eq3A_301 : vector<512x16xf32>
      %jit3A_303 = arith.constant -3.000000e+38 : f32
      %broadcast_in_dim3A_304 = vector.broadcast %jit3A_303 : f32 to vector<512x16xf32>
      %select_n3A_305 = arith.select %eq3A_302, %broadcast_in_dim3A_304, %select_n3A_289 : vector<512x16xi1>, vector<512x16xf32>
      %reduce_max3A_306 = arith.constant dense<0xFF800000> : vector<512xf32>
      %reduce_max3A_307 = vector.multi_reduction <maximumf>, %select_n3A_305, %reduce_max3A_306 [1] : vector<512x16xf32> to vector<512xf32>
      %broadcast_in_dim3A_308 = vector.shape_cast %reduce_max3A_307 : vector<512xf32> to vector<512x1xf32>
      %eq3A_309 = vector.broadcast %broadcast_in_dim3A_308 : vector<512x1xf32> to vector<512x16xf32>
      %eq3A_310 = arith.cmpf oeq, %select_n3A_305, %eq3A_309 : vector<512x16xf32>
      %jit3A_311 = arith.constant 3.000000e+38 : f32
      %broadcast_in_dim3A_312 = vector.broadcast %jit3A_311 : f32 to vector<512x16xf32>
      %select_n3A_313 = arith.select %eq3A_310, %concatenate3A_209, %broadcast_in_dim3A_312 : vector<512x16xi1>, vector<512x16xf32>
      %reduce_min3A_314 = arith.constant dense<0x7F800000> : vector<512xf32>
      %reduce_min3A_315 = vector.multi_reduction <minimumf>, %select_n3A_313, %reduce_min3A_314 [1] : vector<512x16xf32> to vector<512xf32>
      %broadcast_in_dim3A_316 = vector.shape_cast %reduce_min3A_315 : vector<512xf32> to vector<512x1xf32>
      %eq3A_317 = vector.broadcast %broadcast_in_dim3A_316 : vector<512x1xf32> to vector<512x16xf32>
      %eq3A_318 = arith.cmpf oeq, %concatenate3A_209, %eq3A_317 : vector<512x16xf32>
      %jit3A_319 = arith.constant -3.000000e+38 : f32
      %broadcast_in_dim3A_320 = vector.broadcast %jit3A_319 : f32 to vector<512x16xf32>
      %select_n3A_321 = arith.select %eq3A_318, %broadcast_in_dim3A_320, %select_n3A_305 : vector<512x16xi1>, vector<512x16xf32>
      %reduce_max3A_322 = arith.constant dense<0xFF800000> : vector<512xf32>
      %reduce_max3A_323 = vector.multi_reduction <maximumf>, %select_n3A_321, %reduce_max3A_322 [1] : vector<512x16xf32> to vector<512xf32>
      %broadcast_in_dim3A_324 = vector.shape_cast %reduce_max3A_323 : vector<512xf32> to vector<512x1xf32>
      %eq3A_325 = vector.broadcast %broadcast_in_dim3A_324 : vector<512x1xf32> to vector<512x16xf32>
      %eq3A_326 = arith.cmpf oeq, %select_n3A_321, %eq3A_325 : vector<512x16xf32>
      %jit3A_327 = arith.constant 3.000000e+38 : f32
      %broadcast_in_dim3A_328 = vector.broadcast %jit3A_327 : f32 to vector<512x16xf32>
      %select_n3A_329 = arith.select %eq3A_326, %concatenate3A_209, %broadcast_in_dim3A_328 : vector<512x16xi1>, vector<512x16xf32>
      %reduce_min3A_330 = arith.constant dense<0x7F800000> : vector<512xf32>
      %reduce_min3A_331 = vector.multi_reduction <minimumf>, %select_n3A_329, %reduce_min3A_330 [1] : vector<512x16xf32> to vector<512xf32>
      %broadcast_in_dim3A_332 = vector.shape_cast %reduce_min3A_331 : vector<512xf32> to vector<512x1xf32>
      %concatenate3A_333 = tpu.concatenate %broadcast_in_dim3A_212, %broadcast_in_dim3A_228, %broadcast_in_dim3A_244, %broadcast_in_dim3A_260, %broadcast_in_dim3A_276, %broadcast_in_dim3A_292, %broadcast_in_dim3A_308, %broadcast_in_dim3A_324 in 1 : vector<512x1xf32>, vector<512x1xf32>, vector<512x1xf32>, vector<512x1xf32>, vector<512x1xf32>, vector<512x1xf32>, vector<512x1xf32>, vector<512x1xf32> -> vector<512x8xf32>
      %concatenate3A_334 = tpu.concatenate %broadcast_in_dim3A_220, %broadcast_in_dim3A_236, %broadcast_in_dim3A_252, %broadcast_in_dim3A_268, %broadcast_in_dim3A_284, %broadcast_in_dim3A_300, %broadcast_in_dim3A_316, %broadcast_in_dim3A_332 in 1 : vector<512x1xf32>, vector<512x1xf32>, vector<512x1xf32>, vector<512x1xf32>, vector<512x1xf32>, vector<512x1xf32>, vector<512x1xf32>, vector<512x1xf32> -> vector<512x8xf32>
      %swap3A = arith.constant 0 : index
      %swap3A_335 = arith.constant 0 : index
      %swap3A_336 = vector.load %arg5[%swap3A, %swap3A_335] : memref<512x8xf32, #tpu.memory_space<vmem>>, vector<512x8xf32>
      tpu.vector_store %arg5[%swap3A, %swap3A_335], %concatenate3A_333 {strides = array<i32>} : memref<512x8xf32, #tpu.memory_space<vmem>>, vector<512x8xf32>,
      %swap3A_337 = arith.constant 0 : index
      %swap3A_338 = arith.constant 0 : index
      %swap3A_339 = vector.load %arg6[%swap3A_337, %swap3A_338] : memref<512x8xf32, #tpu.memory_space<vmem>>, vector<512x8xf32>
      tpu.vector_store %arg6[%swap3A_337, %swap3A_338], %concatenate3A_334 {strides = array<i32>} : memref<512x8xf32, #tpu.memory_space<vmem>>, vector<512x8xf32>,
    } else {
    }
    %not3A = arith.constant true
    %not3A_198 = arith.xori %reduce_and3A_194, %not3A : i1
    %convert_element_type3A_199 = arith.extui %not3A_198 : i1 to i32
    %cond3A_200 = arith.constant 0 : i32
    %cond3A_201 = arith.cmpi ne, %convert_element_type3A_199, %cond3A_200 : i32
    scf.if %cond3A_201 {
      %reduce_max3A_202 = arith.constant dense<0xFF800000> : vector<512xf32>
      %reduce_max3A_203 = vector.multi_reduction <maximumf>, %select_n3A_15, %reduce_max3A_202 [1] : vector<512x2048xf32> to vector<512xf32>
      %broadcast_in_dim3A_204 = vector.shape_cast %reduce_max3A_203 : vector<512xf32> to vector<512x1xf32>
      %eq3A_205 = vector.broadcast %broadcast_in_dim3A_204 : vector<512x1xf32> to vector<512x2048xf32>
      %eq3A_206 = arith.cmpf oeq, %select_n3A_15, %eq3A_205 : vector<512x2048xf32>
      %jit3A_207 = arith.constant 3.000000e+38 : f32
      %broadcast_in_dim3A_208 = vector.broadcast %jit3A_207 : f32 to vector<512x2048xf32>
      %select_n3A_209 = arith.select %eq3A_206, %convert_element_type3A, %broadcast_in_dim3A_208 : vector<512x2048xi1>, vector<512x2048xf32>
      %reduce_min3A_210 = arith.constant dense<0x7F800000> : vector<512xf32>
      %reduce_min3A_211 = vector.multi_reduction <minimumf>, %select_n3A_209, %reduce_min3A_210 [1] : vector<512x2048xf32> to vector<512xf32>
      %broadcast_in_dim3A_212 = vector.shape_cast %reduce_min3A_211 : vector<512xf32> to vector<512x1xf32>
      %eq3A_213 = vector.broadcast %broadcast_in_dim3A_212 : vector<512x1xf32> to vector<512x2048xf32>
      %eq3A_214 = arith.cmpf oeq, %convert_element_type3A, %eq3A_213 : vector<512x2048xf32>
      %jit3A_215 = arith.constant -3.000000e+38 : f32
      %broadcast_in_dim3A_216 = vector.broadcast %jit3A_215 : f32 to vector<512x2048xf32>
      %select_n3A_217 = arith.select %eq3A_214, %broadcast_in_dim3A_216, %select_n3A_15 : vector<512x2048xi1>, vector<512x2048xf32>
      %reduce_max3A_218 = arith.constant dense<0xFF800000> : vector<512xf32>
      %reduce_max3A_219 = vector.multi_reduction <maximumf>, %select_n3A_217, %reduce_max3A_218 [1] : vector<512x2048xf32> to vector<512xf32>
      %broadcast_in_dim3A_220 = vector.shape_cast %reduce_max3A_219 : vector<512xf32> to vector<512x1xf32>
      %eq3A_221 = vector.broadcast %broadcast_in_dim3A_220 : vector<512x1xf32> to vector<512x2048xf32>
      %eq3A_222 = arith.cmpf oeq, %select_n3A_217, %eq3A_221 : vector<512x2048xf32>
      %jit3A_223 = arith.constant 3.000000e+38 : f32
      %broadcast_in_dim3A_224 = vector.broadcast %jit3A_223 : f32 to vector<512x2048xf32>
      %select_n3A_225 = arith.select %eq3A_222, %convert_element_type3A, %broadcast_in_dim3A_224 : vector<512x2048xi1>, vector<512x2048xf32>
      %reduce_min3A_226 = arith.constant dense<0x7F800000> : vector<512xf32>
      %reduce_min3A_227 = vector.multi_reduction <minimumf>, %select_n3A_225, %reduce_min3A_226 [1] : vector<512x2048xf32> to vector<512xf32>
      %broadcast_in_dim3A_228 = vector.shape_cast %reduce_min3A_227 : vector<512xf32> to vector<512x1xf32>
      %eq3A_229 = vector.broadcast %broadcast_in_dim3A_228 : vector<512x1xf32> to vector<512x2048xf32>
      %eq3A_230 = arith.cmpf oeq, %convert_element_type3A, %eq3A_229 : vector<512x2048xf32>
      %jit3A_231 = arith.constant -3.000000e+38 : f32
      %broadcast_in_dim3A_232 = vector.broadcast %jit3A_231 : f32 to vector<512x2048xf32>
      %select_n3A_233 = arith.select %eq3A_230, %broadcast_in_dim3A_232, %select_n3A_217 : vector<512x2048xi1>, vector<512x2048xf32>
      %reduce_max3A_234 = arith.constant dense<0xFF800000> : vector<512xf32>
      %reduce_max3A_235 = vector.multi_reduction <maximumf>, %select_n3A_233, %reduce_max3A_234 [1] : vector<512x2048xf32> to vector<512xf32>
      %broadcast_in_dim3A_236 = vector.shape_cast %reduce_max3A_235 : vector<512xf32> to vector<512x1xf32>
      %eq3A_237 = vector.broadcast %broadcast_in_dim3A_236 : vector<512x1xf32> to vector<512x2048xf32>
      %eq3A_238 = arith.cmpf oeq, %select_n3A_233, %eq3A_237 : vector<512x2048xf32>
      %jit3A_239 = arith.constant 3.000000e+38 : f32
      %broadcast_in_dim3A_240 = vector.broadcast %jit3A_239 : f32 to vector<512x2048xf32>
      %select_n3A_241 = arith.select %eq3A_238, %convert_element_type3A, %broadcast_in_dim3A_240 : vector<512x2048xi1>, vector<512x2048xf32>
      %reduce_min3A_242 = arith.constant dense<0x7F800000> : vector<512xf32>
      %reduce_min3A_243 = vector.multi_reduction <minimumf>, %select_n3A_241, %reduce_min3A_242 [1] : vector<512x2048xf32> to vector<512xf32>
      %broadcast_in_dim3A_244 = vector.shape_cast %reduce_min3A_243 : vector<512xf32> to vector<512x1xf32>
      %eq3A_245 = vector.broadcast %broadcast_in_dim3A_244 : vector<512x1xf32> to vector<512x2048xf32>
      %eq3A_246 = arith.cmpf oeq, %convert_element_type3A, %eq3A_245 : vector<512x2048xf32>
      %jit3A_247 = arith.constant -3.000000e+38 : f32
      %broadcast_in_dim3A_248 = vector.broadcast %jit3A_247 : f32 to vector<512x2048xf32>
      %select_n3A_249 = arith.select %eq3A_246, %broadcast_in_dim3A_248, %select_n3A_233 : vector<512x2048xi1>, vector<512x2048xf32>
      %reduce_max3A_250 = arith.constant dense<0xFF800000> : vector<512xf32>
      %reduce_max3A_251 = vector.multi_reduction <maximumf>, %select_n3A_249, %reduce_max3A_250 [1] : vector<512x2048xf32> to vector<512xf32>
      %broadcast_in_dim3A_252 = vector.shape_cast %reduce_max3A_251 : vector<512xf32> to vector<512x1xf32>
      %eq3A_253 = vector.broadcast %broadcast_in_dim3A_252 : vector<512x1xf32> to vector<512x2048xf32>
      %eq3A_254 = arith.cmpf oeq, %select_n3A_249, %eq3A_253 : vector<512x2048xf32>
      %jit3A_255 = arith.constant 3.000000e+38 : f32
      %broadcast_in_dim3A_256 = vector.broadcast %jit3A_255 : f32 to vector<512x2048xf32>
      %select_n3A_257 = arith.select %eq3A_254, %convert_element_type3A, %broadcast_in_dim3A_256 : vector<512x2048xi1>, vector<512x2048xf32>
      %reduce_min3A_258 = arith.constant dense<0x7F800000> : vector<512xf32>
      %reduce_min3A_259 = vector.multi_reduction <minimumf>, %select_n3A_257, %reduce_min3A_258 [1] : vector<512x2048xf32> to vector<512xf32>
      %broadcast_in_dim3A_260 = vector.shape_cast %reduce_min3A_259 : vector<512xf32> to vector<512x1xf32>
      %eq3A_261 = vector.broadcast %broadcast_in_dim3A_260 : vector<512x1xf32> to vector<512x2048xf32>
      %eq3A_262 = arith.cmpf oeq, %convert_element_type3A, %eq3A_261 : vector<512x2048xf32>
      %jit3A_263 = arith.constant -3.000000e+38 : f32
      %broadcast_in_dim3A_264 = vector.broadcast %jit3A_263 : f32 to vector<512x2048xf32>
      %select_n3A_265 = arith.select %eq3A_262, %broadcast_in_dim3A_264, %select_n3A_249 : vector<512x2048xi1>, vector<512x2048xf32>
      %reduce_max3A_266 = arith.constant dense<0xFF800000> : vector<512xf32>
      %reduce_max3A_267 = vector.multi_reduction <maximumf>, %select_n3A_265, %reduce_max3A_266 [1] : vector<512x2048xf32> to vector<512xf32>
      %broadcast_in_dim3A_268 = vector.shape_cast %reduce_max3A_267 : vector<512xf32> to vector<512x1xf32>
      %eq3A_269 = vector.broadcast %broadcast_in_dim3A_268 : vector<512x1xf32> to vector<512x2048xf32>
      %eq3A_270 = arith.cmpf oeq, %select_n3A_265, %eq3A_269 : vector<512x2048xf32>
      %jit3A_271 = arith.constant 3.000000e+38 : f32
      %broadcast_in_dim3A_272 = vector.broadcast %jit3A_271 : f32 to vector<512x2048xf32>
      %select_n3A_273 = arith.select %eq3A_270, %convert_element_type3A, %broadcast_in_dim3A_272 : vector<512x2048xi1>, vector<512x2048xf32>
      %reduce_min3A_274 = arith.constant dense<0x7F800000> : vector<512xf32>
      %reduce_min3A_275 = vector.multi_reduction <minimumf>, %select_n3A_273, %reduce_min3A_274 [1] : vector<512x2048xf32> to vector<512xf32>
      %broadcast_in_dim3A_276 = vector.shape_cast %reduce_min3A_275 : vector<512xf32> to vector<512x1xf32>
      %eq3A_277 = vector.broadcast %broadcast_in_dim3A_276 : vector<512x1xf32> to vector<512x2048xf32>
      %eq3A_278 = arith.cmpf oeq, %convert_element_type3A, %eq3A_277 : vector<512x2048xf32>
      %jit3A_279 = arith.constant -3.000000e+38 : f32
      %broadcast_in_dim3A_280 = vector.broadcast %jit3A_279 : f32 to vector<512x2048xf32>
      %select_n3A_281 = arith.select %eq3A_278, %broadcast_in_dim3A_280, %select_n3A_265 : vector<512x2048xi1>, vector<512x2048xf32>
      %reduce_max3A_282 = arith.constant dense<0xFF800000> : vector<512xf32>
      %reduce_max3A_283 = vector.multi_reduction <maximumf>, %select_n3A_281, %reduce_max3A_282 [1] : vector<512x2048xf32> to vector<512xf32>
      %broadcast_in_dim3A_284 = vector.shape_cast %reduce_max3A_283 : vector<512xf32> to vector<512x1xf32>
      %eq3A_285 = vector.broadcast %broadcast_in_dim3A_284 : vector<512x1xf32> to vector<512x2048xf32>
      %eq3A_286 = arith.cmpf oeq, %select_n3A_281, %eq3A_285 : vector<512x2048xf32>
      %jit3A_287 = arith.constant 3.000000e+38 : f32
      %broadcast_in_dim3A_288 = vector.broadcast %jit3A_287 : f32 to vector<512x2048xf32>
      %select_n3A_289 = arith.select %eq3A_286, %convert_element_type3A, %broadcast_in_dim3A_288 : vector<512x2048xi1>, vector<512x2048xf32>
      %reduce_min3A_290 = arith.constant dense<0x7F800000> : vector<512xf32>
      %reduce_min3A_291 = vector.multi_reduction <minimumf>, %select_n3A_289, %reduce_min3A_290 [1] : vector<512x2048xf32> to vector<512xf32>
      %broadcast_in_dim3A_292 = vector.shape_cast %reduce_min3A_291 : vector<512xf32> to vector<512x1xf32>
      %eq3A_293 = vector.broadcast %broadcast_in_dim3A_292 : vector<512x1xf32> to vector<512x2048xf32>
      %eq3A_294 = arith.cmpf oeq, %convert_element_type3A, %eq3A_293 : vector<512x2048xf32>
      %jit3A_295 = arith.constant -3.000000e+38 : f32
      %broadcast_in_dim3A_296 = vector.broadcast %jit3A_295 : f32 to vector<512x2048xf32>
      %select_n3A_297 = arith.select %eq3A_294, %broadcast_in_dim3A_296, %select_n3A_281 : vector<512x2048xi1>, vector<512x2048xf32>
      %reduce_max3A_298 = arith.constant dense<0xFF800000> : vector<512xf32>
      %reduce_max3A_299 = vector.multi_reduction <maximumf>, %select_n3A_297, %reduce_max3A_298 [1] : vector<512x2048xf32> to vector<512xf32>
      %broadcast_in_dim3A_300 = vector.shape_cast %reduce_max3A_299 : vector<512xf32> to vector<512x1xf32>
      %eq3A_301 = vector.broadcast %broadcast_in_dim3A_300 : vector<512x1xf32> to vector<512x2048xf32>
      %eq3A_302 = arith.cmpf oeq, %select_n3A_297, %eq3A_301 : vector<512x2048xf32>
      %jit3A_303 = arith.constant 3.000000e+38 : f32
      %broadcast_in_dim3A_304 = vector.broadcast %jit3A_303 : f32 to vector<512x2048xf32>
      %select_n3A_305 = arith.select %eq3A_302, %convert_element_type3A, %broadcast_in_dim3A_304 : vector<512x2048xi1>, vector<512x2048xf32>
      %reduce_min3A_306 = arith.constant dense<0x7F800000> : vector<512xf32>
      %reduce_min3A_307 = vector.multi_reduction <minimumf>, %select_n3A_305, %reduce_min3A_306 [1] : vector<512x2048xf32> to vector<512xf32>
      %broadcast_in_dim3A_308 = vector.shape_cast %reduce_min3A_307 : vector<512xf32> to vector<512x1xf32>
      %eq3A_309 = vector.broadcast %broadcast_in_dim3A_308 : vector<512x1xf32> to vector<512x2048xf32>
      %eq3A_310 = arith.cmpf oeq, %convert_element_type3A, %eq3A_309 : vector<512x2048xf32>
      %jit3A_311 = arith.constant -3.000000e+38 : f32
      %broadcast_in_dim3A_312 = vector.broadcast %jit3A_311 : f32 to vector<512x2048xf32>
      %select_n3A_313 = arith.select %eq3A_310, %broadcast_in_dim3A_312, %select_n3A_297 : vector<512x2048xi1>, vector<512x2048xf32>
      %reduce_max3A_314 = arith.constant dense<0xFF800000> : vector<512xf32>
      %reduce_max3A_315 = vector.multi_reduction <maximumf>, %select_n3A_313, %reduce_max3A_314 [1] : vector<512x2048xf32> to vector<512xf32>
      %broadcast_in_dim3A_316 = vector.shape_cast %reduce_max3A_315 : vector<512xf32> to vector<512x1xf32>
      %eq3A_317 = vector.broadcast %broadcast_in_dim3A_316 : vector<512x1xf32> to vector<512x2048xf32>
      %eq3A_318 = arith.cmpf oeq, %select_n3A_313, %eq3A_317 : vector<512x2048xf32>
      %jit3A_319 = arith.constant 3.000000e+38 : f32
      %broadcast_in_dim3A_320 = vector.broadcast %jit3A_319 : f32 to vector<512x2048xf32>
      %select_n3A_321 = arith.select %eq3A_318, %convert_element_type3A, %broadcast_in_dim3A_320 : vector<512x2048xi1>, vector<512x2048xf32>
      %reduce_min3A_322 = arith.constant dense<0x7F800000> : vector<512xf32>
      %reduce_min3A_323 = vector.multi_reduction <minimumf>, %select_n3A_321, %reduce_min3A_322 [1] : vector<512x2048xf32> to vector<512xf32>
      %broadcast_in_dim3A_324 = vector.shape_cast %reduce_min3A_323 : vector<512xf32> to vector<512x1xf32>
      %concatenate3A_325 = tpu.concatenate %broadcast_in_dim3A_204, %broadcast_in_dim3A_220, %broadcast_in_dim3A_236, %broadcast_in_dim3A_252, %broadcast_in_dim3A_268, %broadcast_in_dim3A_284, %broadcast_in_dim3A_300, %broadcast_in_dim3A_316 in 1 : vector<512x1xf32>, vector<512x1xf32>, vector<512x1xf32>, vector<512x1xf32>, vector<512x1xf32>, vector<512x1xf32>, vector<512x1xf32>, vector<512x1xf32> -> vector<512x8xf32>
      %concatenate3A_326 = tpu.concatenate %broadcast_in_dim3A_212, %broadcast_in_dim3A_228, %broadcast_in_dim3A_244, %broadcast_in_dim3A_260, %broadcast_in_dim3A_276, %broadcast_in_dim3A_292, %broadcast_in_dim3A_308, %broadcast_in_dim3A_324 in 1 : vector<512x1xf32>, vector<512x1xf32>, vector<512x1xf32>, vector<512x1xf32>, vector<512x1xf32>, vector<512x1xf32>, vector<512x1xf32>, vector<512x1xf32> -> vector<512x8xf32>
      %get3A_327 = arith.constant 0 : index
      %get3A_328 = arith.constant 0 : index
      %get3A_329 = vector.load %arg5[%get3A_327, %get3A_328] : memref<512x8xf32, #tpu.memory_space<vmem>>, vector<512x8xf32>
      %concatenate3A_330 = tpu.concatenate %get3A_329, %concatenate3A_325 in 1 : vector<512x8xf32>, vector<512x8xf32> -> vector<512x16xf32>
      %get3A_331 = arith.constant 0 : index
      %get3A_332 = arith.constant 0 : index
      %get3A_333 = vector.load %arg6[%get3A_331, %get3A_332] : memref<512x8xf32, #tpu.memory_space<vmem>>, vector<512x8xf32>
      %concatenate3A_334 = tpu.concatenate %get3A_333, %concatenate3A_326 in 1 : vector<512x8xf32>, vector<512x8xf32> -> vector<512x16xf32>
      %reduce_max3A_335 = arith.constant dense<0xFF800000> : vector<512xf32>
      %reduce_max3A_336 = vector.multi_reduction <maximumf>, %concatenate3A_330, %reduce_max3A_335 [1] : vector<512x16xf32> to vector<512xf32>
      %broadcast_in_dim3A_337 = vector.shape_cast %reduce_max3A_336 : vector<512xf32> to vector<512x1xf32>
      %eq3A_338 = vector.broadcast %broadcast_in_dim3A_337 : vector<512x1xf32> to vector<512x16xf32>
      %eq3A_339 = arith.cmpf oeq, %concatenate3A_330, %eq3A_338 : vector<512x16xf32>
      %jit3A_340 = arith.constant 3.000000e+38 : f32
      %broadcast_in_dim3A_341 = vector.broadcast %jit3A_340 : f32 to vector<512x16xf32>
      %select_n3A_342 = arith.select %eq3A_339, %concatenate3A_334, %broadcast_in_dim3A_341 : vector<512x16xi1>, vector<512x16xf32>
      %reduce_min3A_343 = arith.constant dense<0x7F800000> : vector<512xf32>
      %reduce_min3A_344 = vector.multi_reduction <minimumf>, %select_n3A_342, %reduce_min3A_343 [1] : vector<512x16xf32> to vector<512xf32>
      %broadcast_in_dim3A_345 = vector.shape_cast %reduce_min3A_344 : vector<512xf32> to vector<512x1xf32>
      %eq3A_346 = vector.broadcast %broadcast_in_dim3A_345 : vector<512x1xf32> to vector<512x16xf32>
      %eq3A_347 = arith.cmpf oeq, %concatenate3A_334, %eq3A_346 : vector<512x16xf32>
      %jit3A_348 = arith.constant -3.000000e+38 : f32
      %broadcast_in_dim3A_349 = vector.broadcast %jit3A_348 : f32 to vector<512x16xf32>
      %select_n3A_350 = arith.select %eq3A_347, %broadcast_in_dim3A_349, %concatenate3A_330 : vector<512x16xi1>, vector<512x16xf32>
      %reduce_max3A_351 = arith.constant dense<0xFF800000> : vector<512xf32>
      %reduce_max3A_352 = vector.multi_reduction <maximumf>, %select_n3A_350, %reduce_max3A_351 [1] : vector<512x16xf32> to vector<512xf32>
      %broadcast_in_dim3A_353 = vector.shape_cast %reduce_max3A_352 : vector<512xf32> to vector<512x1xf32>
      %eq3A_354 = vector.broadcast %broadcast_in_dim3A_353 : vector<512x1xf32> to vector<512x16xf32>
      %eq3A_355 = arith.cmpf oeq, %select_n3A_350, %eq3A_354 : vector<512x16xf32>
      %jit3A_356 = arith.constant 3.000000e+38 : f32
      %broadcast_in_dim3A_357 = vector.broadcast %jit3A_356 : f32 to vector<512x16xf32>
      %select_n3A_358 = arith.select %eq3A_355, %concatenate3A_334, %broadcast_in_dim3A_357 : vector<512x16xi1>, vector<512x16xf32>
      %reduce_min3A_359 = arith.constant dense<0x7F800000> : vector<512xf32>
      %reduce_min3A_360 = vector.multi_reduction <minimumf>, %select_n3A_358, %reduce_min3A_359 [1] : vector<512x16xf32> to vector<512xf32>
      %broadcast_in_dim3A_361 = vector.shape_cast %reduce_min3A_360 : vector<512xf32> to vector<512x1xf32>
      %eq3A_362 = vector.broadcast %broadcast_in_dim3A_361 : vector<512x1xf32> to vector<512x16xf32>
      %eq3A_363 = arith.cmpf oeq, %concatenate3A_334, %eq3A_362 : vector<512x16xf32>
      %jit3A_364 = arith.constant -3.000000e+38 : f32
      %broadcast_in_dim3A_365 = vector.broadcast %jit3A_364 : f32 to vector<512x16xf32>
      %select_n3A_366 = arith.select %eq3A_363, %broadcast_in_dim3A_365, %select_n3A_350 : vector<512x16xi1>, vector<512x16xf32>
      %reduce_max3A_367 = arith.constant dense<0xFF800000> : vector<512xf32>
      %reduce_max3A_368 = vector.multi_reduction <maximumf>, %select_n3A_366, %reduce_max3A_367 [1] : vector<512x16xf32> to vector<512xf32>
      %broadcast_in_dim3A_369 = vector.shape_cast %reduce_max3A_368 : vector<512xf32> to vector<512x1xf32>
      %eq3A_370 = vector.broadcast %broadcast_in_dim3A_369 : vector<512x1xf32> to vector<512x16xf32>
      %eq3A_371 = arith.cmpf oeq, %select_n3A_366, %eq3A_370 : vector<512x16xf32>
      %jit3A_372 = arith.constant 3.000000e+38 : f32
      %broadcast_in_dim3A_373 = vector.broadcast %jit3A_372 : f32 to vector<512x16xf32>
      %select_n3A_374 = arith.select %eq3A_371, %concatenate3A_334, %broadcast_in_dim3A_373 : vector<512x16xi1>, vector<512x16xf32>
      %reduce_min3A_375 = arith.constant dense<0x7F800000> : vector<512xf32>
      %reduce_min3A_376 = vector.multi_reduction <minimumf>, %select_n3A_374, %reduce_min3A_375 [1] : vector<512x16xf32> to vector<512xf32>
      %broadcast_in_dim3A_377 = vector.shape_cast %reduce_min3A_376 : vector<512xf32> to vector<512x1xf32>
      %eq3A_378 = vector.broadcast %broadcast_in_dim3A_377 : vector<512x1xf32> to vector<512x16xf32>
      %eq3A_379 = arith.cmpf oeq, %concatenate3A_334, %eq3A_378 : vector<512x16xf32>
      %jit3A_380 = arith.constant -3.000000e+38 : f32
      %broadcast_in_dim3A_381 = vector.broadcast %jit3A_380 : f32 to vector<512x16xf32>
      %select_n3A_382 = arith.select %eq3A_379, %broadcast_in_dim3A_381, %select_n3A_366 : vector<512x16xi1>, vector<512x16xf32>
      %reduce_max3A_383 = arith.constant dense<0xFF800000> : vector<512xf32>
      %reduce_max3A_384 = vector.multi_reduction <maximumf>, %select_n3A_382, %reduce_max3A_383 [1] : vector<512x16xf32> to vector<512xf32>
      %broadcast_in_dim3A_385 = vector.shape_cast %reduce_max3A_384 : vector<512xf32> to vector<512x1xf32>
      %eq3A_386 = vector.broadcast %broadcast_in_dim3A_385 : vector<512x1xf32> to vector<512x16xf32>
      %eq3A_387 = arith.cmpf oeq, %select_n3A_382, %eq3A_386 : vector<512x16xf32>
      %jit3A_388 = arith.constant 3.000000e+38 : f32
      %broadcast_in_dim3A_389 = vector.broadcast %jit3A_388 : f32 to vector<512x16xf32>
      %select_n3A_390 = arith.select %eq3A_387, %concatenate3A_334, %broadcast_in_dim3A_389 : vector<512x16xi1>, vector<512x16xf32>
      %reduce_min3A_391 = arith.constant dense<0x7F800000> : vector<512xf32>
      %reduce_min3A_392 = vector.multi_reduction <minimumf>, %select_n3A_390, %reduce_min3A_391 [1] : vector<512x16xf32> to vector<512xf32>
      %broadcast_in_dim3A_393 = vector.shape_cast %reduce_min3A_392 : vector<512xf32> to vector<512x1xf32>
      %eq3A_394 = vector.broadcast %broadcast_in_dim3A_393 : vector<512x1xf32> to vector<512x16xf32>
      %eq3A_395 = arith.cmpf oeq, %concatenate3A_334, %eq3A_394 : vector<512x16xf32>
      %jit3A_396 = arith.constant -3.000000e+38 : f32
      %broadcast_in_dim3A_397 = vector.broadcast %jit3A_396 : f32 to vector<512x16xf32>
      %select_n3A_398 = arith.select %eq3A_395, %broadcast_in_dim3A_397, %select_n3A_382 : vector<512x16xi1>, vector<512x16xf32>
      %reduce_max3A_399 = arith.constant dense<0xFF800000> : vector<512xf32>
      %reduce_max3A_400 = vector.multi_reduction <maximumf>, %select_n3A_398, %reduce_max3A_399 [1] : vector<512x16xf32> to vector<512xf32>
      %broadcast_in_dim3A_401 = vector.shape_cast %reduce_max3A_400 : vector<512xf32> to vector<512x1xf32>
      %eq3A_402 = vector.broadcast %broadcast_in_dim3A_401 : vector<512x1xf32> to vector<512x16xf32>
      %eq3A_403 = arith.cmpf oeq, %select_n3A_398, %eq3A_402 : vector<512x16xf32>
      %jit3A_404 = arith.constant 3.000000e+38 : f32
      %broadcast_in_dim3A_405 = vector.broadcast %jit3A_404 : f32 to vector<512x16xf32>
      %select_n3A_406 = arith.select %eq3A_403, %concatenate3A_334, %broadcast_in_dim3A_405 : vector<512x16xi1>, vector<512x16xf32>
      %reduce_min3A_407 = arith.constant dense<0x7F800000> : vector<512xf32>
      %reduce_min3A_408 = vector.multi_reduction <minimumf>, %select_n3A_406, %reduce_min3A_407 [1] : vector<512x16xf32> to vector<512xf32>
      %broadcast_in_dim3A_409 = vector.shape_cast %reduce_min3A_408 : vector<512xf32> to vector<512x1xf32>
      %eq3A_410 = vector.broadcast %broadcast_in_dim3A_409 : vector<512x1xf32> to vector<512x16xf32>
      %eq3A_411 = arith.cmpf oeq, %concatenate3A_334, %eq3A_410 : vector<512x16xf32>
      %jit3A_412 = arith.constant -3.000000e+38 : f32
      %broadcast_in_dim3A_413 = vector.broadcast %jit3A_412 : f32 to vector<512x16xf32>
      %select_n3A_414 = arith.select %eq3A_411, %broadcast_in_dim3A_413, %select_n3A_398 : vector<512x16xi1>, vector<512x16xf32>
      %reduce_max3A_415 = arith.constant dense<0xFF800000> : vector<512xf32>
      %reduce_max3A_416 = vector.multi_reduction <maximumf>, %select_n3A_414, %reduce_max3A_415 [1] : vector<512x16xf32> to vector<512xf32>
      %broadcast_in_dim3A_417 = vector.shape_cast %reduce_max3A_416 : vector<512xf32> to vector<512x1xf32>
      %eq3A_418 = vector.broadcast %broadcast_in_dim3A_417 : vector<512x1xf32> to vector<512x16xf32>
      %eq3A_419 = arith.cmpf oeq, %select_n3A_414, %eq3A_418 : vector<512x16xf32>
      %jit3A_420 = arith.constant 3.000000e+38 : f32
      %broadcast_in_dim3A_421 = vector.broadcast %jit3A_420 : f32 to vector<512x16xf32>
      %select_n3A_422 = arith.select %eq3A_419, %concatenate3A_334, %broadcast_in_dim3A_421 : vector<512x16xi1>, vector<512x16xf32>
      %reduce_min3A_423 = arith.constant dense<0x7F800000> : vector<512xf32>
      %reduce_min3A_424 = vector.multi_reduction <minimumf>, %select_n3A_422, %reduce_min3A_423 [1] : vector<512x16xf32> to vector<512xf32>
      %broadcast_in_dim3A_425 = vector.shape_cast %reduce_min3A_424 : vector<512xf32> to vector<512x1xf32>
      %eq3A_426 = vector.broadcast %broadcast_in_dim3A_425 : vector<512x1xf32> to vector<512x16xf32>
      %eq3A_427 = arith.cmpf oeq, %concatenate3A_334, %eq3A_426 : vector<512x16xf32>
      %jit3A_428 = arith.constant -3.000000e+38 : f32
      %broadcast_in_dim3A_429 = vector.broadcast %jit3A_428 : f32 to vector<512x16xf32>
      %select_n3A_430 = arith.select %eq3A_427, %broadcast_in_dim3A_429, %select_n3A_414 : vector<512x16xi1>, vector<512x16xf32>
      %reduce_max3A_431 = arith.constant dense<0xFF800000> : vector<512xf32>
      %reduce_max3A_432 = vector.multi_reduction <maximumf>, %select_n3A_430, %reduce_max3A_431 [1] : vector<512x16xf32> to vector<512xf32>
      %broadcast_in_dim3A_433 = vector.shape_cast %reduce_max3A_432 : vector<512xf32> to vector<512x1xf32>
      %eq3A_434 = vector.broadcast %broadcast_in_dim3A_433 : vector<512x1xf32> to vector<512x16xf32>
      %eq3A_435 = arith.cmpf oeq, %select_n3A_430, %eq3A_434 : vector<512x16xf32>
      %jit3A_436 = arith.constant 3.000000e+38 : f32
      %broadcast_in_dim3A_437 = vector.broadcast %jit3A_436 : f32 to vector<512x16xf32>
      %select_n3A_438 = arith.select %eq3A_435, %concatenate3A_334, %broadcast_in_dim3A_437 : vector<512x16xi1>, vector<512x16xf32>
      %reduce_min3A_439 = arith.constant dense<0x7F800000> : vector<512xf32>
      %reduce_min3A_440 = vector.multi_reduction <minimumf>, %select_n3A_438, %reduce_min3A_439 [1] : vector<512x16xf32> to vector<512xf32>
      %broadcast_in_dim3A_441 = vector.shape_cast %reduce_min3A_440 : vector<512xf32> to vector<512x1xf32>
      %eq3A_442 = vector.broadcast %broadcast_in_dim3A_441 : vector<512x1xf32> to vector<512x16xf32>
      %eq3A_443 = arith.cmpf oeq, %concatenate3A_334, %eq3A_442 : vector<512x16xf32>
      %jit3A_444 = arith.constant -3.000000e+38 : f32
      %broadcast_in_dim3A_445 = vector.broadcast %jit3A_444 : f32 to vector<512x16xf32>
      %select_n3A_446 = arith.select %eq3A_443, %broadcast_in_dim3A_445, %select_n3A_430 : vector<512x16xi1>, vector<512x16xf32>
      %reduce_max3A_447 = arith.constant dense<0xFF800000> : vector<512xf32>
      %reduce_max3A_448 = vector.multi_reduction <maximumf>, %select_n3A_446, %reduce_max3A_447 [1] : vector<512x16xf32> to vector<512xf32>
      %broadcast_in_dim3A_449 = vector.shape_cast %reduce_max3A_448 : vector<512xf32> to vector<512x1xf32>
      %eq3A_450 = vector.broadcast %broadcast_in_dim3A_449 : vector<512x1xf32> to vector<512x16xf32>
      %eq3A_451 = arith.cmpf oeq, %select_n3A_446, %eq3A_450 : vector<512x16xf32>
      %jit3A_452 = arith.constant 3.000000e+38 : f32
      %broadcast_in_dim3A_453 = vector.broadcast %jit3A_452 : f32 to vector<512x16xf32>
      %select_n3A_454 = arith.select %eq3A_451, %concatenate3A_334, %broadcast_in_dim3A_453 : vector<512x16xi1>, vector<512x16xf32>
      %reduce_min3A_455 = arith.constant dense<0x7F800000> : vector<512xf32>
      %reduce_min3A_456 = vector.multi_reduction <minimumf>, %select_n3A_454, %reduce_min3A_455 [1] : vector<512x16xf32> to vector<512xf32>
      %broadcast_in_dim3A_457 = vector.shape_cast %reduce_min3A_456 : vector<512xf32> to vector<512x1xf32>
      %concatenate3A_458 = tpu.concatenate %broadcast_in_dim3A_337, %broadcast_in_dim3A_353, %broadcast_in_dim3A_369, %broadcast_in_dim3A_385, %broadcast_in_dim3A_401, %broadcast_in_dim3A_417, %broadcast_in_dim3A_433, %broadcast_in_dim3A_449 in 1 : vector<512x1xf32>, vector<512x1xf32>, vector<512x1xf32>, vector<512x1xf32>, vector<512x1xf32>, vector<512x1xf32>, vector<512x1xf32>, vector<512x1xf32> -> vector<512x8xf32>
      %concatenate3A_459 = tpu.concatenate %broadcast_in_dim3A_345, %broadcast_in_dim3A_361, %broadcast_in_dim3A_377, %broadcast_in_dim3A_393, %broadcast_in_dim3A_409, %broadcast_in_dim3A_425, %broadcast_in_dim3A_441, %broadcast_in_dim3A_457 in 1 : vector<512x1xf32>, vector<512x1xf32>, vector<512x1xf32>, vector<512x1xf32>, vector<512x1xf32>, vector<512x1xf32>, vector<512x1xf32>, vector<512x1xf32> -> vector<512x8xf32>
      %swap3A = arith.constant 0 : index
      %swap3A_460 = arith.constant 0 : index
      %swap3A_461 = vector.load %arg5[%swap3A, %swap3A_460] : memref<512x8xf32, #tpu.memory_space<vmem>>, vector<512x8xf32>
      tpu.vector_store %arg5[%swap3A, %swap3A_460], %concatenate3A_458 {strides = array<i32>} : memref<512x8xf32, #tpu.memory_space<vmem>>, vector<512x8xf32>,
      %swap3A_462 = arith.constant 0 : index
      %swap3A_463 = arith.constant 0 : index
      %swap3A_464 = vector.load %arg6[%swap3A_462, %swap3A_463] : memref<512x8xf32, #tpu.memory_space<vmem>>, vector<512x8xf32>
      tpu.vector_store %arg6[%swap3A_462, %swap3A_463], %concatenate3A_459 {strides = array<i32>} : memref<512x8xf32, #tpu.memory_space<vmem>>, vector<512x8xf32>,
    } else {
    }
    return
  }
  func.func @transform_0(%arg0: i32, %arg1: i32) -> (i32, i32) {
    %c0_i32 = arith.constant 0 : i32
    %c0_i32_0 = arith.constant 0 : i32
    return %arg0, %c0_i32 : i32, i32
  }
  func.func @transform_1(%arg0: i32, %arg1: i32) -> (i32, i32) {
    %min3A = arith.constant 1 : i32
    %min3A_0 = arith.minsi %arg1, %min3A : i32
    %c0_i32 = arith.constant 0 : i32
    %c0_i32_1 = arith.constant 0 : i32
    return %min3A_0, %c0_i32 : i32, i32
  }
  func.func @transform_2(%arg0: i32, %arg1: i32) -> (i32, i32) {
    %c0_i32 = arith.constant 0 : i32
    %c0_i32_0 = arith.constant 0 : i32
    return %arg1, %c0_i32 : i32, i32
  }
  func.func @transform_3(%arg0: i32, %arg1: i32) -> (i32, i32) {
    %c0_i32 = arith.constant 0 : i32
    %c0_i32_0 = arith.constant 0 : i32
    return %arg0, %c0_i32 : i32, i32
  }
  func.func @transform_4(%arg0: i32, %arg1: i32) -> (i32, i32) {
    %c0_i32 = arith.constant 0 : i32
    %c0_i32_0 = arith.constant 0 : i32
    return %arg0, %c0_i32 : i32, i32
  }
}

</mosaic_0001>

<sc_bundles>
// kernel: kernel.4.cloned.1.call-start
scs
__scs_entry_jumppad:
0x0: {  	(pc) =	sbr.rel $0x88, $3  }
0x1: {  	(tag) =	ssettag $0x0;
	lr =	simm.s32 $0x1  }
0x2: {  	[smem:$0x3F9C] =	sst lr;
	_ =	strace $0xD0000000  }
0x3: {  	_ = 	snop  }
0x4: {  	_ = 	snop  }
0x5: {  	_ = 	snop  }
0x6: {  	_ = 	snop  }
0x7: {  	_ = 	snop  }
__scs_overlays_trampoline_lowered:
0x8: {  	[smem:$0x3FAB] =	sst s0  }
0x9: {  	[smem:$0x3FAC] =	sst s1  }
0xa: {  	[smem:$0x3FAD] =	sst s2  }
0xb: {  	[smem:$0x3FAE] =	sst s3  }
0xc: {  	[smem:$0x3FAF] =	sst s4  }
0xd: {  	[smem:$0x3FB0] =	sst s5  }
0xe: {  	[smem:$0x3FB1] =	sst s6  }
0xf: {  	[smem:$0x3FB2] =	sst s7  }
0x10: {  	[smem:$0x3FB3] =	sst s8  }
0x11: {  	[smem:$0x3FB4] =	sst s9;
	s0 =	simm.s32 @!p0 $0x0  }
0x12: {  	s1 =	sld [smem:$0x3F9A];
	s0 =	simm.s32 @p0 $0x1  }
0x13: {  	[smem:$0x3FB5] =	sst s0;
	s0 =	simm.s32 @!p1 $0x0  }
0x14: {  	s2 =	sld [smem:$0x3F99];
	s0 =	simm.s32 @p1 $0x1  }
0x15: {  	[smem:$0x3FB6] =	sst s0;
	s0 =	simm.s32 @!p2 $0x0  }
0x16: {  	s3 =	sld [smem:$0x3FDB];
	s0 =	simm.s32 @p2 $0x1  }
0x17: {  	s4 =	simm.s32 $0x1BF5;
	[smem:$0x3FB8] =	sst s0  }
0x18: {  	s0 =	sld [smem:$0x3F9B];
	_ =	swait.ge [sflag:s4], $0x0  }
0x19: {  	s7 =	sld [smem:$0x3F9C]  }
0x1a: {  	s8 =	sadd.s32 $0xFFFFE003, lr  }
0x1b: {  	s9 =	sadd.s32 $0xFFFFFEF7, lr;
	s5 =	simm.s32 $0xFFFFFFFF;
	p2 =	slt.u32 s8, $0xFFFFF086  }
0x1c: {  	p1 =	slt.u32 s9, $0xF7A;
	s5 =	simm.s32 @!p2 $0x0  }
0x1d: {  	s5 =	simm.s32 @p1 $0x1;
	p0 =	seq.s32 s7, s2  }
0x1e: {  	s7 =	smul.u32 @!p0 $0xF7A, s2;
	p2 =	seq.s32 @!p0 s5, $0x0  }
0x1f: {  	s9 =	smul.u32 $0xF7A, s1;
	s8 =	simm.s32 @!p0 $0x1BF5;
	p2 =	por !p2, p0  }
0x20: {  	[sflag:s8] =	ssyncset.s32 @!p0 $0xFFFFF086;
	s6 =	sadd.s32 @!p0 s3, s7;
	s7 =	simm.s32 @!p0 $0x108  }
0x21: {  	s3 =	sadd.s32 s3, s9;
	s6 =	sadd.s32 @!p0 $0x88, s6;
	s7 =	simm.s32 @p2 $0x1082  }
0x22: {  	[simem:s7], [sflag:s8] =	dma.local @!p0 [hbm:s6], $0xF7A  }
0x23: {  	s9 =	sor.u32 $0xD0000000, s2;
	s6 =	simm.s32 $0x108;
	_ =	swait.ge @!p0 [sflag:s8], $0x0  }
0x24: {  	s3 =	sadd.s32 $0x88, s3;
	s6 =	simm.s32 @!p1 $0x1082;
	[sflag:s4] =	ssyncset.s32 $0xFFFFF086  }
0x25: {  	[simem:s6], [sflag:s4] =	dma.local [hbm:s3], $0xF7A  }
0x26: {  	[smem:$0x3F9C] =	sst s1;
	(tag) =	ssettag s2;
	_ =	strace s9  }
0x27: {  	s1 =	sld [smem:$0x3FAC]  }
0x28: {  	s2 =	sld [smem:$0x3FAD]  }
0x29: {  	s4 =	sld [smem:$0x3FAF]  }
0x2a: {  	p0 =	seq.s32 s5, $0x0;
	s5 =	sld [smem:$0x3FB0]  }
0x2b: {  	s6 =	sld [smem:$0x3FB1]  }
0x2c: {  	s7 =	sld [smem:$0x3FB2]  }
0x2d: {  	s3 =	simm.s32 $0x108;
	s8 =	sld [smem:$0x3FB3]  }
0x2e: {  	s3 =	simm.s32 @!p0 $0x1082;
	s9 =	sld [smem:$0x3FB4]  }
0x2f: {  	lr =	sadd.s32 s0, s3;
	s0 =	sld [smem:$0x3FAB]  }
0x30: {  	s3 =	sld [smem:$0x3FAE]  }
0x31: {  	[smem:$0x3FB7] =	sst s10  }
0x32: {  	s10 =	sld [smem:$0x3FB5];
	_ =	sdelay $0x3  }
0x33: {  	p0 =	seq.s32 s10, $0x1;
	s10 =	sld [smem:$0x3FB7];
	_ =	sdelay $0x3  }
0x34: {  	[smem:$0x3FB7] =	sst s10  }
0x35: {  	s10 =	sld [smem:$0x3FB6];
	_ =	sdelay $0x3  }
0x36: {  	p1 =	seq.s32 s10, $0x1;
	s10 =	sld [smem:$0x3FB7];
	_ =	sdelay $0x3  }
0x37: {  	[smem:$0x3FB7] =	sst s10  }
0x38: {  	s10 =	sld [smem:$0x3FB8]  }
0x39: {  	_ = 	snop;
	(pc) =	sbr.ind lr, $3  }
0x3a: {  	_ = 	snop  }
0x3b: {  	_ = 	snop  }
0x3c: {  	p2 =	seq.s32 s10, $0x1;
	s10 =	sld [smem:$0x3FB7]  }
0x3d: {  	_ =	shalt  }
0x3e: {  	_ =	shalt  }
0x3f: {  	_ =	shalt  }
0x40: {  	_ =	shalt  }
0x41: {  	_ =	shalt  }
0x42: {  	_ =	shalt  }
0x43: {  	_ =	shalt  }
0x44: {  	_ =	shalt  }
0x45: {  	_ =	shalt  }
0x46: {  	_ =	shalt  }
0x47: {  	_ =	shalt  }
0x48: {  	_ =	shalt  }
0x49: {  	_ =	shalt  }
0x4a: {  	_ =	shalt  }
0x4b: {  	_ =	shalt  }
0x4c: {  	_ =	shalt  }
0x4d: {  	_ =	shalt  }
0x4e: {  	_ =	shalt  }
0x4f: {  	_ =	shalt  }
0x50: {  	_ =	shalt  }
0x51: {  	_ =	shalt  }
0x52: {  	_ =	shalt  }
0x53: {  	_ =	shalt  }
0x54: {  	_ =	shalt  }
0x55: {  	_ =	shalt  }
0x56: {  	_ =	shalt  }
0x57: {  	_ =	shalt  }
0x58: {  	_ =	shalt  }
0x59: {  	_ =	shalt  }
0x5a: {  	_ =	shalt  }
0x5b: {  	_ =	shalt  }
0x5c: {  	_ =	shalt  }
0x5d: {  	_ =	shalt  }
0x5e: {  	_ =	shalt  }
0x5f: {  	_ =	shalt  }
0x60: {  	_ =	shalt  }
0x61: {  	_ =	shalt  }
0x62: {  	_ =	shalt  }
0x63: {  	_ =	shalt  }
0x64: {  	_ =	shalt  }
0x65: {  	_ =	shalt  }
0x66: {  	_ =	shalt  }
0x67: {  	_ =	shalt  }
0x68: {  	_ =	shalt  }
0x69: {  	_ =	shalt  }
0x6a: {  	_ =	shalt  }
0x6b: {  	_ =	shalt  }
0x6c: {  	_ =	shalt  }
0x6d: {  	_ =	shalt  }
0x6e: {  	_ =	shalt  }
0x6f: {  	_ =	shalt  }
0x70: {  	_ =	shalt  }
0x71: {  	_ =	shalt  }
0x72: {  	_ =	shalt  }
0x73: {  	_ =	shalt  }
0x74: {  	_ =	shalt  }
0x75: {  	_ =	shalt  }
0x76: {  	_ =	shalt  }
0x77: {  	_ =	shalt  }
0x78: {  	_ =	shalt  }
0x79: {  	_ =	shalt  }
0x7a: {  	_ =	shalt  }
0x7b: {  	_ =	shalt  }
0x7c: {  	_ =	shalt  }
0x7d: {  	_ =	shalt  }
0x7e: {  	_ =	shalt  }
0x7f: {  	_ =	shalt  }
0x80: {  	_ =	shalt  }
0x81: {  	_ =	shalt  }
0x82: {  	_ =	shalt  }
0x83: {  	_ =	shalt  }
0x84: {  	_ =	shalt  }
0x85: {  	_ =	shalt  }
0x86: {  	_ =	shalt  }
0x87: {  	_ =	shalt  }
.Lfunc_end0:
.L_simem_size_0:
called_computation_lowered:
.L_overlay_start_0:
0x88: {  	s2 =	sld [smem:$0x3FD9]  }
0x89: {  	s3 =	sld [smem:$0x3FFE];
	_ =	sdelay $0x1  }
0x8a: {  	s1 =	srdreg.scid  }
0x8b: {  	s0 =	sand.u32 $0x1, s1  }
0x8c: {  	s14 =	sshll.u32 s0, $0xA;
	s2 =	sadd.s32 s3, s2  }
0x8d: {  	s2 =	sadd.s32 s2, s14  }
0x8e: {  	[smem:$0x3FC3] =	sst s2  }
0x8f: {  	_ = 	snop  }
0x90: {  	s2 =	sld [smem:$0x3FD0];
	_ =	sdelay $0x2  }
0x91: {  	s15 =	simm.s32 $0xA;
	s4 =	simm.s32 $0x10  }
0x92: {  	[smem:s4], [sflag:s15] =	dma.local [hbm:s2], $0x1  }
0x93: {  	_ =	swait.eq [sflag:s15], $0x1  }
0x94: {  	[sflag:s15] =	ssyncset.done $0x0  }
0x95: {  	[sflag:s15] =	ssyncadd.s32 $0xFFFFFFFF  }
0x96: {  	s16 =	sld [smem:$0x10];
	(tm) =	ssettm $0x1  }
0x97: {  	s17 =	sld [smem:$0x3FFB];
	_ =	sdelay $0x3  }
0x98: {  	_ =	strace s17  }
0x99: {  	s3 =	sld [smem:$0x3FFC];
	_ =	sdelay $0x3  }
0x9a: {  	_ =	strace s3  }
0x9b: {  	s3 =	sld [smem:$0x3FFD];
	_ =	sdelay $0x3  }
0x9c: {  	_ =	strace s3  }
0x9d: {  	_ =	strace $0x8FFFFFFF  }
0x9e: {  	s18 =	sld [smem:$0x3FDB];
	_ =	sdelay $0x1  }
0x9f: {  	s19 =	simm.s32 $_scs_section_size  }
0xa0: {  	s5 =	simm.s32 $_size__tile_overlayer_lowered;
	s6 =	simm.s32 $_tile_overlayer_lowered  }
0xa1: {  	s22 =	simm.s32 $0x1BFF;
	s21 =	sshll.u32 s6, $0x1;
	s3 =	sadd.s32 s19, s18  }
0xa2: {  	s7 =	simm.s32 $0x0;
	s20 =	sshll.u32 s5, $0x1;
	s5 =	sadd.s32 s21, s3  }
0xa3: {  	[timem:s7], [sflag:s22] =	dma.local [hbm:s5], s20  }
0xa4: {  	_ =	swait.ge [sflag:s22], s20  }
0xa5: {  	s4 =	ssub.s32 $0x0, s20;
	[sflag:s22] =	ssyncset.done $0x0  }
0xa6: {  	[sflag:s22] =	ssyncadd.s32 s4;
	_ =	sdelay $0x1  }
0xa7: {  	s23 =	simm.s32 $0x1B8B  }
0xa8: {  	_ =	swait.ge [sflag:s23], $0x1  }
0xa9: {  	[sflag:s23] =	ssyncset.done $0x0  }
0xaa: {  	s25 =	simm.s32 $0x1B8E;
	s24 =	sld [smem:$0x3FFE];
	[sflag:s23] =	ssyncadd.s32 $0xFFFFFFFF  }
0xab: {  	s26 =	simm.s32 $execute0_lowered;
	[smem:$0x3FD2] =	sst s25  }
0xac: {  	s5 =	sshll.u32 s26, $0x1;
	_ =	strace $0x80000046;
	[dreg:$0x1] =	wrdreg $0xFFFFFFFF  }
0xad: {  	s28 =	simm.s32 $_size_execute0_lowered;
	s3 =	sadd.s32 s3, s5;
	[dreg:$0x0] =	wrdreg $0x0  }
0xae: {  	s5 =	sshll.u32 s28, $0x1;
	[dreg:$0x2] =	wrdreg s3  }
0xaf: {  	[dreg:$0x3] =	wrdreg s5  }
0xb0: {  	[dreg:$0x4] =	wrdreg $0xC0  }
0xb1: {  	_ =	task [dreg:s7], $0x5FFFF  }
0xb2: {  	[dreg:$0x1] =	wrdreg $0xFFFFFFFF  }
0xb3: {  	[dreg:$0x0] =	wrdreg $0x60  }
0xb4: {  	[dreg:$0x2] =	wrdreg s24  }
0xb5: {  	[dreg:$0x3] =	wrdreg s16  }
0xb6: {  	[dreg:$0x4] =	wrdreg $0x9  }
0xb7: {  	_ =	task.clear_ibuf [dreg:s7], $0x5FFFF;
	_ =	strace $0x90000046  }
0xb8: {  	s29 =	simm.s32 $0x9;
	_ =	strace $0x80000053  }
0xb9: {  	_ =	swait.ge [sflag:s29], $0x1  }
0xba: {  	[sflag:s29] =	ssyncadd.s32 $0xFFFFFFFF  }
0xbb: {  	_ =	strace $0x90000053  }
0xbc: {  	_ =	sfence  }
0xbd: {  	s30 =	sld [smem:$0x0];
	_ =	sdelay $0x2  }
0xbe: {  	s31 =	sshll.u32 s1, $0xD;
	s1 =	sshrl.u32 s1, $0x2  }
0xbf: {  	s3 =	sand.u32 $0x4000, s31;
	s1 =	sadd.s32 s1, s30  }
0xc0: {  	s0 =	sor.u32 s3, s0;
	s1 =	sshll.u32 s1, $0x11  }
0xc1: {  	s0 =	sor.u32 s1, s0  }
0xc2: {  	s0 =	sadd.s32 $0x8F2B, s0  }
0xc3: {  	[sflag:s0] =	ssyncadd.remote.s32 $0x1  }
0xc4: {  	_ =	sfence.sel $0xFFFF  }
0xc5: {  	[dreg:$0x0] =	wrdreg $0xFFFFFFFF;
	(pc) =	sbr.abs _section_cstart, $3  }
0xc6: {  	[dreg:$0x1] =	wrdreg $0xFFFFFFFF  }
0xc7: {  	_ =	task.clear_ibuf [dreg:s7], $0x2FFFF;
	_ =	strace $0x9FFFFFFF  }
0xc8: {  	(tm) =	ssettm $0x7FFFFFFF  }
0xc9: {  	_ =	shalt  }
tec
execute0_lowered:
.L_overlay_start_1:
0x0: {  	(tag) =	ssettag $0x1  }
0x1: {  	s0 =	rddreg [dreg:$0x0]  }
0x2: {  	s1 =	rddreg [dreg:$0x1];
	s2 =	simm.s32 $0x0  }
0x3: {  	s4 =	srdreg.scid;
	s9 =	stileid.u32;
	s14 =	simm.s32 $0x80  }
0x4: {  	s15 =	simm.s32 $0x9;
	s16 =	simm.s32 $0x0;
	[smem:$0x7FF] =	sst s2  }
0x5: {  	s3 =	sadd.s32 $0x187200, s0;
	s5 =	sadd.s32 $0xC00, s0;
	s4 =	sand.u32 $0x1, s4  }
0x6: {  	s6 =	sadd.s32 $0x800, s0;
	s7 =	sadd.s32 $0x1000, s0;
	s4 =	ssub.s32 $0x2, s4  }
0x7: {  	s8 =	sadd.s32 $0x21000, s0;
	s11 =	sshll.u32 s9, $0x6;
	s31 =	sshrl.u32 s4, $0x1  }
0x8: {  	s9 =	sshll.u32 s9, $0x2;
	_ =	strace $0x80000047;
	s0 =	ssub.s32 s4, s31  }
0x9: {  	s10 =	sadd.s32 s5, s11;
	s11 =	sadd.s32 s6, s11;
	s12 =	smax.u32 s0, $0x1  }
.LBB2_1:
0xa: {  	_ =	strace $0x80000048  }
0xb: {  	s0 =	simm.s32 $0x100;
	s26 =	simm.s32 $0x1;
	s18 =	simm.s32 $0x4  }
0xc: {  	s28 =	simm.s32 $0x0;
	s17 =	simm.s32 $0x0;
	s19 =	simm.s32 $0x0  }
0xd: {  	[tilespmem:s2], [sflag:$0x1] =	stream.linear.gather [hbm4b:s10+s2], $0x80, $0x200038;
	[tilespmem:$0x10200] =	vst v63  }
0xe: {  	s24 =	simm.s32 $0x0;
	s20 =	simm.s32 $0x0;
	s21 =	simm.s32 $0x0  }
0xf: {  	[tilespmem:s0], [sflag:$0x3] =	stream.linear.gather [hbm4b:s11+s2], $0x80, $0x200038;
	[tilespmem:$0x10200] =	vst v63  }
0x10: {  	s22 =	simm.s32 $0x1;
	s23 =	simm.s32 $0x0;
	_ =	strace $0x90000048  }
.LBB2_2:
0x11: {  	s25 =	sadd.s32 $0x1, s28  }
0x12: {  	p0 =	seq.s32 s25, $0x4  }
0x13: {  	s25 =	simm.s32 @p0 $0x0;
	p0 =	seq.s32 s18, $0x1  }
0x14: {  	p1 =	seq.s32 @!p0 s28, s25  }
0x15: {  	p2 =	por p1, p0  }
0x16: {  	s0 =	sadd.s32 @!p2 s9, s25  }
0x17: {  	s4 =	sand.u32 @!p2 $0x1, s26;
	s0 =	sshll.u32 @!p2 s0, $0x4  }
0x18: {  	_ =	strace @!p2 $0x80000049;
	s31 =	simm.s32 @!p2 $0x0;
	s0 =	sand.u32 @!p2 $0x1FFFFFF0, s0  }
0x19: {  	s29 =	sshll.u32 @!p2 s4, $0x7;
	s4 =	sadd.s32 @!p2 $0x1, s4;
	s30 =	sadd.s32 @!p2 s5, s0  }
0x1a: {  	[tilespmem:s29], [sflag:s4] =	stream.linear.gather @!p2 [hbm4b:s30+s31], $0x80, $0x200038;
	[tilespmem:$0x10200] =	vst v63  }
0x1b: {  	s4 =	sand.u32 @!p2 $0x1, s22  }
0x1c: {  	s0 =	sadd.s32 @!p2 s6, s0;
	_ =	strace @!p2 $0x90000049;
	s29 =	sshll.u32 @!p2 s4, $0x7  }
0x1d: {  	s4 =	sadd.s32 @!p2 $0x3, s4;
	_ =	strace @!p2 $0x8000004A;
	s29 =	sor.u32 @!p2 $0x100, s29  }
0x1e: {  	[tilespmem:s29], [sflag:s4] =	stream.linear.gather @!p2 [hbm4b:s0+s31], $0x80, $0x200038;
	[tilespmem:$0x10200] =	vst v63  }
0x1f: {  	s4 =	sand.u32 $0x1, s23;
	_ =	strace @!p2 $0x9000004A  }
0x20: {  	s0 =	sadd.s32 $0x1, s4;
	_ =	strace $0x8000004B  }
0x21: {  	_ =	swait.ge [sflag:s0], $0x80  }
0x22: {  	[sflag:s0] =	ssyncset.done $0x0  }
0x23: {  	[sflag:s0] =	ssyncadd.s32 $0xFFFFFF80  }
0x24: {  	s13 =	sand.u32 $0x1, s21;
	_ =	strace $0x9000004B  }
0x25: {  	s0 =	sadd.s32 $0x3, s13;
	_ =	strace $0x8000004C  }
0x26: {  	_ =	swait.ge [sflag:s0], $0x80  }
0x27: {  	[sflag:s0] =	ssyncset.done $0x0  }
0x28: {  	s30 =	sand.u32 $0x1, s20;
	[sflag:s0] =	ssyncadd.s32 $0xFFFFFF80  }
0x29: {  	s29 =	sshll.u32 s30, $0xE;
	s31 =	sshll.u32 s23, $0x7;
	_ =	strace $0x9000004C  }
0x2a: {  	s4 =	sand.u32 $0x80, s31;
	s0 =	sor.u32 $0x200, s29;
	_ =	strace $0x8000004D  }
0x2b: {  	[tilespmem:s0], [sflag:$0x9] =	stream.indirect.gather [hbm4b:s3+s14], $0x80, s4, s14, $0x2000b8;
	[tilespmem:$0x10200] =	vst v63  }
0x2c: {  	s31 =	sand.u32 $0x1, s19;
	s13 =	sshll.u32 s21, $0x7;
	_ =	swait.ge [sflag:s15], $0x4000  }
0x2d: {  	s13 =	sand.u32 $0x80, s13;
	s29 =	sshll.u32 s31, $0xE;
	[sflag:s15] =	ssyncset.done $0x0  }
0x2e: {  	s13 =	sor.u32 $0x100, s13;
	s4 =	sor.u32 $0x8200, s29;
	[sflag:s15] =	ssyncadd.s32 $0xFFFFC000  }
0x2f: {  	[tilespmem:s4], [sflag:$0x9] =	stream.indirect.gather [hbm4b:s1+s14], $0x80, s13, s14, $0x2000b8;
	[tilespmem:$0x10200] =	vst v63  }
0x30: {  	p3 =	por p0, !p1;
	_ =	swait.ge [sflag:s15], $0x4000  }
0x31: {  	s13 =	sadd.s32 @p3 s9, s28;
	[sflag:s15] =	ssyncset.done $0x0  }
0x32: {  	s13 =	sshll.u32 @p3 s13, $0xB;
	[sflag:s15] =	ssyncadd.s32 $0xFFFFC000  }
0x33: {  	s29 =	simm.s32 $0x0;
	s13 =	sand.u32 @p3 $0x1FFFF800, s13;
	_ =	strace $0x9000004D  }
0x34: {  	s28 =	sadd.s32 @p3 $0x5, s30;
	s29 =	sadd.s32 @p3 s7, s13;
	_ =	strace @p3 $0x8000004E  }
0x35: {  	[hbm4b:s29+s2] =	stream.linear.scatter @p3 [tilespmem:s0], [sflag:s28], $0x4000, $0x200038;
	[tilespmem:$0x10200] =	vst v63  }
0x36: {  	p1 =	por !p1, p0;
	s20 =	sadd.s32 @p3 $0x1, s20;
	_ =	strace @p3 $0x9000004E  }
0x37: {  	s13 =	sadd.s32 @p3 s8, s13;
	s0 =	sadd.s32 @p3 $0x7, s31;
	_ =	strace @p3 $0x8000004F  }
0x38: {  	[hbm4b:s13+s2] =	stream.linear.scatter @p3 [tilespmem:s4], [sflag:s0], $0x4000, $0x200038;
	[tilespmem:$0x10200] =	vst v63  }
0x39: {  	s29 =	simm.s32 @p3 $0x1;
	_ =	strace @p3 $0x9000004F;
	p3 =	seq.s32 s18, $0x4  }
0x3a: {  	s30 =	smov.u32 s26;
	s28 =	smov.u32 s25;
	s0 =	sand.u32 @!p3 $0x1, s24  }
0x3b: {  	s19 =	sadd.s32 s19, s29;
	_ =	strace @!p3 $0x80000050;
	s0 =	sadd.s32 @!p3 $0x5, s0  }
0x3c: {  	s23 =	sadd.s32 s23, s29;
	s4 =	sadd.s32 @!p2 $0x1, s26;
	_ =	swait.ge @!p3 [sflag:s0], $0x4000  }
0x3d: {  	s30 =	smov.u32 @p1 s4;
	s18 =	sadd.s32 $0xFFFFFFFF, s18;
	[sflag:s0] =	ssyncset.done @!p3 $0x0  }
0x3e: {  	s13 =	sand.u32 @!p3 $0x1, s17;
	[sflag:s0] =	ssyncadd.s32 @!p3 $0xFFFFC000;
	s0 =	simm.s32 $0x0  }
0x3f: {  	s30 =	smov.u32 @p0 s26;
	s4 =	simm.s32 @!p3 $0x1;
	s0 =	simm.s32 @p1 $0x1  }
0x40: {  	_ =	strace @!p3 $0x90000050;
	s0 =	simm.s32 @p0 $0x0;
	p0 =	sne.s32 s18, $0x0  }
.Ltmp0:
0x41: {  	s13 =	sadd.s32 @!p3 $0x7, s13;
	_ =	strace @!p3 $0x80000051;
	(pc) =	sbr.rel @p0 .LBB2_2-.Ltmp0, $4  }
0x42: {  	s21 =	sadd.s32 s21, s29;
	s4 =	simm.s32 @p3 $0x0;
	_ =	swait.ge @!p3 [sflag:s13], $0x4000  }
0x43: {  	s22 =	sadd.s32 s22, s0;
	s0 =	sadd.s32 @!p3 $0x1, s24;
	[sflag:s13] =	ssyncset.done @!p3 $0x0  }
0x44: {  	s26 =	smov.u32 s30;
	s0 =	smov.u32 @p3 s24;
	[sflag:s13] =	ssyncadd.s32 @!p3 $0xFFFFC000  }
0x45: {  	s17 =	sadd.s32 s17, s4;
	s24 =	smov.u32 s0;
	_ =	strace @!p3 $0x90000051  }
0x46: {  	s0 =	sand.u32 $0x1, s0  }
0x47: {  	_ =	strace $0x80000052;
	s0 =	sadd.s32 $0x5, s0  }
0x48: {  	s16 =	sadd.s32 $0x1, s16;
	_ =	swait.ge [sflag:s0], $0x4000  }
0x49: {  	s4 =	sand.u32 $0x1, s17;
	p0 =	sne.s32 s16, s12;
	[sflag:s0] =	ssyncset.done $0x0  }
.Ltmp1:
0x4a: {  	s31 =	sadd.s32 $0x7, s4;
	[sflag:s0] =	ssyncadd.s32 $0xFFFFC000;
	(pc) =	sbr.rel @p0 .LBB2_1-.Ltmp1, $4  }
0x4b: {  	_ =	swait.ge [sflag:s31], $0x4000  }
0x4c: {  	[sflag:s31] =	ssyncset.done $0x0  }
0x4d: {  	[sflag:s31] =	ssyncadd.s32 $0xFFFFC000  }
0x4e: {  	_ =	strace $0x90000052  }
0x4f: {  	_ =	sfence.sel $0x180000  }
0x50: {  	[bflag:$0x0] =	sbarrier.arrive $0xFFFF  }
0x51: {  	_ =	strace $0x90000047  }
0x52: {  	s0 =	stileid.u32;
	[bflag:$0x2] =	sbarrier.arrive $0xFFFF  }
0x53: {  	p0 =	sne.s32 s0, $0x0;
	s0 =	rddreg [dreg:$0x2]  }
0x54: {  	s0 =	sadd.s32 @!p0 $0x100000, s0  }
0x55: {  	[sflag:s0] =	ssyncadd.tile.s32 @!p0 $0x1;
	_ =	shalt  }
.Lfunc_end2:
_tile_overlayer_lowered:
.L_overlay_start_2:
0x56: {  	(tag) =	ssettag $0x2  }
0x57: {  	s0 =	rddreg [dreg:$0x0];
	s2 =	stileid.u32  }
0x58: {  	s1 =	rddreg [dreg:$0x1];
	p0 =	sne.s32 s2, $0x0  }
0x59: {  	s3 =	rddreg [dreg:$0x2];
	[bflag:$0x3] =	sbarrier.arrive $0xFFFF;
	s2 =	simm.s32 @!p0 $0x1C01  }
0x5a: {  	[timem:s3], [sflag:s2] =	dma.local @!p0 [hbm:s0], s1  }
0x5b: {  	s0 =	simm.s32 @!p0 $0x1  }
0x5c: {  	_ =	swait.ge @!p0 [sflag:s0], s1  }
0x5d: {  	s1 =	ssub.s32 @!p0 $0x0, s1;
	[sflag:s0] =	ssyncset.done @!p0 $0x0  }
0x5e: {  	[sflag:s0] =	ssyncadd.s32 @!p0 s1  }
0x5f: {  	[bflag:$0x3] =	sbarrier.arrive $0xFFFF  }
0x60: {  	_ =	shalt  }

</sc_bundles>
